<compile_context>
chip_gen: v7x
topology: tpu7x:2x2x1
jax: 0.10.2.dev20260603
libtpu: 0.0.44.dev20260713+nightly
codegen_flags: <defaults>
</compile_context>

<pallas_src>
import functools

import jax
import jax.numpy as jnp
from jax import lax
from jax.experimental import pallas as pl
from jax.experimental.pallas import tpu as pltpu
from jax.experimental.pallas import tpu_sc as plsc


def _sc_agg_call(x2, src2, dst, zeros_c, ones_c,
                 n_pad, rows_per_tile, chunk, n_chunks, e):
  e_per_tile = chunk * n_chunks
  stripe = 64
  n_stripes = rows_per_tile // stripe
  chunk2 = 40
  n_chunks2 = (e // 2) // (16 * chunk2)

  def body(x2_ref, src2_ref, dst_ref, zeros_ref, ones_ref,
           out_ref, deg_out_ref, agg_s, idx_v, dst_v, dst2_v, rows_v,
           idx_w, dst_w, dst2_w, rows_w, sem, sem2, sem3, sem4):
    c = lax.axis_index("c")
    s = lax.axis_index("s")

    rbase = s * rows_per_tile
    for k in range(n_stripes):
      pltpu.sync_copy(zeros_ref, agg_s.at[pl.ds(rbase + k * stripe, stripe)])
    plsc.subcore_barrier()

    ebase = s * e_per_tile

    def pair_body(k, _):
      off_a = ebase + (2 * k) * chunk
      off_b = off_a + chunk
      pltpu.sync_copy(src2_ref.at[pl.ds(c * e + off_a, chunk)], idx_v)
      pltpu.sync_copy(dst_ref.at[pl.ds(off_a, chunk)], dst_v)
      ga = pltpu.async_copy(x2_ref.at[idx_v], rows_v, sem)
      pltpu.sync_copy(src2_ref.at[pl.ds(c * e + off_b, chunk)], idx_w)
      pltpu.sync_copy(dst_ref.at[pl.ds(off_b, chunk)], dst_w)
      ga.wait()
      gb = pltpu.async_copy(x2_ref.at[idx_w], rows_w, sem2)
      sa = pltpu.async_copy(rows_v, agg_s.at[dst_v], sem3, add=True)
      gb.wait()
      sb = pltpu.async_copy(rows_w, agg_s.at[dst_w], sem4, add=True)
      sa.wait()
      sb.wait()
      return 0
    lax.fori_loop(0, n_chunks // 2, pair_body, 0)
    off_t = ebase + (n_chunks - 1) * chunk
    pltpu.sync_copy(src2_ref.at[pl.ds(c * e + off_t, chunk)], idx_v)
    pltpu.sync_copy(dst_ref.at[pl.ds(off_t, chunk)], dst_v)
    pltpu.async_copy(x2_ref.at[idx_v], rows_v, sem).wait()
    pltpu.sync_copy(rows_v, agg_s.at[dst_v], add=True)
    plsc.subcore_barrier()

    for k in range(n_stripes):
      pltpu.sync_copy(agg_s.at[pl.ds(rbase + k * stripe, stripe)],
                      out_ref.at[c, pl.ds(rbase + k * stripe, stripe)])
    plsc.subcore_barrier()

    for k in range(n_stripes):
      pltpu.sync_copy(zeros_ref, agg_s.at[pl.ds(rbase + k * stripe, stripe)])
    pltpu.sync_copy(ones_ref, rows_v.at[pl.ds(0, chunk2)])
    plsc.subcore_barrier()

    ebase2 = (c * 16 + s) * (chunk2 * n_chunks2)

    def pair2_body(k, _):
      off_a = ebase2 + (2 * k) * chunk2
      off_b = off_a + chunk2
      pltpu.sync_copy(dst_ref.at[pl.ds(off_a, chunk2)], dst2_v)
      sa = pltpu.async_copy(rows_v.at[pl.ds(0, chunk2)],
                            agg_s.at[dst2_v], sem, add=True)
      pltpu.sync_copy(dst_ref.at[pl.ds(off_b, chunk2)], dst2_w)
      sa.wait()
      sb = pltpu.async_copy(rows_v.at[pl.ds(0, chunk2)],
                            agg_s.at[dst2_w], sem2, add=True)
      sb.wait()
      return 0
    lax.fori_loop(0, n_chunks2 // 2, pair2_body, 0)
    off_t2 = ebase2 + (n_chunks2 - 1) * chunk2
    pltpu.sync_copy(dst_ref.at[pl.ds(off_t2, chunk2)], dst2_v)
    pltpu.sync_copy(rows_v.at[pl.ds(0, chunk2)], agg_s.at[dst2_v], add=True)
    plsc.subcore_barrier()

    for k in range(n_stripes):
      pltpu.sync_copy(agg_s.at[pl.ds(rbase + k * stripe, stripe)],
                      deg_out_ref.at[c, pl.ds(rbase + k * stripe, stripe)])

  mesh = plsc.VectorSubcoreMesh(core_axis_name="c", subcore_axis_name="s")
  call = pl.kernel(
      body,
      out_type=(
          jax.ShapeDtypeStruct((2, n_pad, 128), jnp.float32),
          jax.ShapeDtypeStruct((2, n_pad, 128), jnp.float32),
      ),
      mesh=mesh,
      scratch_types=[
          pltpu.VMEM_SHARED((n_pad, 128), jnp.float32),
          pltpu.VMEM((chunk,), jnp.int32),
          pltpu.VMEM((chunk,), jnp.int32),
          pltpu.VMEM((chunk2,), jnp.int32),
          pltpu.VMEM((chunk, 128), jnp.float32),
          pltpu.VMEM((chunk,), jnp.int32),
          pltpu.VMEM((chunk,), jnp.int32),
          pltpu.VMEM((chunk2,), jnp.int32),
          pltpu.VMEM((chunk, 128), jnp.float32),
          pltpu.SemaphoreType.DMA,
          pltpu.SemaphoreType.DMA,
          pltpu.SemaphoreType.DMA,
          pltpu.SemaphoreType.DMA,
      ],
      name="sc_edge_agg",
  )
  return call(x2, src2, dst, zeros_c, ones_c)


def _tc_body(aggm_ref, deg_ref, batch_ref, wg_ref, wl_ref, bl_ref,
             hn_ref, h_ref, out_ref, acc, cnt, *, n_g):
  i = pl.program_id(0)
  dg = deg_ref[...]
  a0 = aggm_ref[0] / dg
  a1 = aggm_ref[1] / dg
  a = jnp.concatenate([a0, a1], axis=1)
  hn = jnp.maximum(
      jnp.dot(a, wg_ref[...], preferred_element_type=jnp.float32), 0.0)
  hn_ref[...] = hn

  b = batch_ref[...]
  g = lax.broadcasted_iota(jnp.int32, b.shape, 1)
  oh = (b == g).astype(jnp.float32)
  part = lax.dot_general(oh, hn, (((0,), (0,)), ((), ())),
                         preferred_element_type=jnp.float32)
  pcnt = lax.dot_general(oh, jnp.ones_like(hn), (((0,), (0,)), ((), ())),
                         preferred_element_type=jnp.float32)

  @pl.when(i == 0)
  def _():
    acc[...] = jnp.zeros_like(acc)
    cnt[...] = jnp.zeros_like(cnt)

  acc[...] += part
  cnt[...] += pcnt

  @pl.when(i == pl.num_programs(0) - 1)
  def _():
    hh = acc[0:n_g, :] / jnp.maximum(cnt[0:n_g, :], 1.0)
    h_ref[...] = hh
    out_ref[...] = (
        jnp.dot(hh, wl_ref[...], preferred_element_type=jnp.float32)
        + bl_ref[0, :][None, :])


def kernel(x, edge_index, batch, Wg, Wl, bl):
  n, d = x.shape
  e = edge_index.shape[1]
  t = Wl.shape[1]
  n_g = 64
  assert d == 256

  rows_per_tile = 640
  n_pad = 16 * rows_per_tile
  chunk = 80
  n_chunks = e // (16 * chunk)

  x2 = x.reshape(2 * n, d // 2)
  src = edge_index[0]
  dst = edge_index[1]
  src2 = jnp.concatenate([src * 2, src * 2 + 1])
  zeros_c = jnp.zeros((64, 128), jnp.float32)
  ones_c = jnp.ones((40, 128), jnp.float32)

  aggm, degp = _sc_agg_call(x2, src2, dst, zeros_c, ones_c,
                            n_pad, rows_per_tile, chunk, n_chunks, e)

  deg = degp[0, :, 0] + degp[1, :, 0]
  deg_b = jnp.broadcast_to(jnp.maximum(deg, 1.0)[:, None], (n_pad, 128))

  batch_pad = jnp.pad(batch, (0, n_pad - n), constant_values=1 << 20)
  batch_b = jnp.broadcast_to(batch_pad[:, None], (n_pad, 128))
  bl8 = jnp.broadcast_to(bl[None, :], (8, t))

  blk = 1024
  grid = n_pad // blk

  hn_pad, h, out = pl.pallas_call(
      functools.partial(_tc_body, n_g=n_g),
      grid=(grid,),
      in_specs=[
          pl.BlockSpec((2, blk, 128), lambda i: (0, i, 0)),
          pl.BlockSpec((blk, 128), lambda i: (i, 0)),
          pl.BlockSpec((blk, 128), lambda i: (i, 0)),
          pl.BlockSpec((d, d), lambda i: (0, 0)),
          pl.BlockSpec((d, t), lambda i: (0, 0)),
          pl.BlockSpec((8, t), lambda i: (0, 0)),
      ],
      out_specs=[
          pl.BlockSpec((blk, d), lambda i: (i, 0)),
          pl.BlockSpec((n_g, d), lambda i: (0, 0)),
          pl.BlockSpec((n_g, t), lambda i: (0, 0)),
      ],
      out_shape=[
          jax.ShapeDtypeStruct((n_pad, d), jnp.float32),
          jax.ShapeDtypeStruct((n_g, d), jnp.float32),
          jax.ShapeDtypeStruct((n_g, t), jnp.float32),
      ],
      scratch_shapes=[
          pltpu.VMEM((128, d), jnp.float32),
          pltpu.VMEM((128, d), jnp.float32),
      ],
      name="tc_gnn_pool_head",
  )(aggm, deg_b, batch_b, Wg, Wl, bl8)

  h_n = hn_pad[:n]
  return (out, h_n, h)

# --- scband reference (transcript-rebuilt; emitter-appended) ---
"""Pipeline reference for scband-regression-model-60670708023669 (READ-ONLY COPY).

The authoritative reference and input builder live on the scoring server;
editing this copy changes nothing except your own understanding.
"""

import jax, jax.numpy as jnp
import numpy as np

N = 10000   # nodes
E = 160000  # edges
D = 256     # in_dim / hidden dim
T = 128     # num_task
G = 64      # graphs in batch


def setup_inputs(seed: int = 0) -> dict:
    key = jax.random.key(seed)
    k1, k2, k3, k4, k5 = jax.random.split(key, 5)
    x = jax.random.normal(k1, (N, D), dtype=jnp.float32)
    edge_index = jax.random.randint(k2, (2, E), 0, N, dtype=jnp.int32)
    batch = jnp.sort(jax.random.randint(k3, (N,), 0, G, dtype=jnp.int32))
    # GNN layer weight (single mean-aggregation GCN-style layer standing in for `gnn`)
    Wg = jax.random.normal(k4, (D, D), dtype=jnp.float32) * 0.05
    # Regression head: nn.Linear(in_dim, num_task)
    Wl = jax.random.normal(k5, (D, T), dtype=jnp.float32) * 0.05
    bl = jnp.zeros((T,), dtype=jnp.float32)
    return {"x": x, "edge_index": edge_index, "batch": batch, "Wg": Wg, "Wl": Wl, "bl": bl}


def reference(x, edge_index, batch, Wg, Wl, bl):
    src = edge_index[0]
    dst = edge_index[1]
    # gnn(batch.x, batch.edge_index): mean-aggregate neighbor messages, linear, relu
    msgs = x[src]                                            # gather [E, D]
    agg = jax.ops.segment_sum(msgs, dst, num_segments=N)     # scatter-add [N, D]
    deg = jax.ops.segment_sum(jnp.ones((E,), dtype=x.dtype), dst, num_segments=N)
    agg = agg / jnp.maximum(deg, 1.0)[:, None]
    h_n = jax.nn.relu(agg @ Wg)                              # [N, D]
    # global_mean_pool(h_n, batch.batch)
    counts = jax.ops.segment_sum(jnp.ones((N,), dtype=x.dtype), batch, num_segments=G)
    h = jax.ops.segment_sum(h_n, batch, num_segments=G) / jnp.maximum(counts, 1.0)[:, None]  # [G, D]
    # self.linear(h)
    out = h @ Wl + bl                                        # [G, T]
    return (out, h_n, h)

if __name__ == "__main__":
    import jax
    _d = setup_inputs()
    print(jax.jit(kernel)(*tuple(_d.values())))

</pallas_src>

<mosaic_0001>
#map = affine_map<(d0, d1) -> (0, 0)>
#map1 = affine_map<(d0, d1) -> (0)>
#map2 = affine_map<(d0, d1) -> (0, 0, 0)>
module attributes {stable_mosaic.version = 14 : i64} {
  func.func @sc_edge_agg(%arg0: i32, %arg1: i32, %arg2: memref<20000x128xf32, #tpu.memory_space<hbm>>, %arg3: memref<320000xi32, #tpu.memory_space<hbm>>, %arg4: memref<160000xi32, #tpu.memory_space<hbm>>, %arg5: memref<64x128xf32, #tpu.memory_space<hbm>>, %arg6: memref<40x128xf32, #tpu.memory_space<hbm>>, %arg7: memref<2x10240x128xf32, #tpu.memory_space<hbm>>, %arg8: memref<2x10240x128xf32, #tpu.memory_space<hbm>>, %arg9: memref<10240x128xf32, #tpu.memory_space<vmem_shared>>, %arg10: memref<80xi32, #tpu.memory_space<vmem>>, %arg11: memref<80xi32, #tpu.memory_space<vmem>>, %arg12: memref<40xi32, #tpu.memory_space<vmem>>, %arg13: memref<80x128xf32, #tpu.memory_space<vmem>>, %arg14: memref<80xi32, #tpu.memory_space<vmem>>, %arg15: memref<80xi32, #tpu.memory_space<vmem>>, %arg16: memref<40xi32, #tpu.memory_space<vmem>>, %arg17: memref<80x128xf32, #tpu.memory_space<vmem>>, %arg18: memref<!tpu.dma_semaphore, #tpu.memory_space<semaphore_mem>>, %arg19: memref<!tpu.dma_semaphore, #tpu.memory_space<semaphore_mem>>, %arg20: memref<!tpu.dma_semaphore, #tpu.memory_space<semaphore_mem>>, %arg21: memref<!tpu.dma_semaphore, #tpu.memory_space<semaphore_mem>>) attributes {dimension_semantics = [#tpu.dimension_semantics<core_parallel>, #tpu.dimension_semantics<subcore_parallel>], iteration_bounds = array<i64: 2, 16>, scalar_prefetch = 0 : i64, scratch_operands = 13 : i64, tpu.core_type = #tpu.core_type<sc_vector_subcore>, window_params = [{transform_indices = #map}, {transform_indices = #map1}, {transform_indices = #map1}, {transform_indices = #map}, {transform_indices = #map}, {transform_indices = #map2}, {transform_indices = #map2}]} {
    %mul3A = arith.constant 640 : i32
    %mul3A_0 = arith.muli %arg1, %mul3A : i32
    %add3A = arith.constant 0 : i32
    %add3A_1 = arith.addi %mul3A_0, %add3A : i32
    "tpu.region"() ({
      %run_scoped3A = tpu.sem_alloc : memref<!tpu.dma_semaphore, #tpu.memory_space<semaphore_mem>>
      %dma_start3A_155 = arith.constant 0 : i32
      %dma_start3A_156 = tpu.memref_slice %arg9[%add3A_1, %dma_start3A_155] : memref<10240x128xf32, #tpu.memory_space<vmem_shared>> -> memref<64x128xf32, #tpu.memory_space<vmem_shared>>
      tpu.enqueue_dma source(%arg5 : memref<64x128xf32, #tpu.memory_space<hbm>>) target(%dma_start3A_156 : memref<64x128xf32, #tpu.memory_space<vmem_shared>>) target_semaphore(%run_scoped3A : memref<!tpu.dma_semaphore, #tpu.memory_space<semaphore_mem>>)
      %dma_wait3A_157 = arith.constant 0 : i32
      %dma_wait3A_158 = tpu.memref_slice %arg9[%add3A_1, %dma_wait3A_157] : memref<10240x128xf32, #tpu.memory_space<vmem_shared>> -> memref<64x128xf32, #tpu.memory_space<vmem_shared>>
      tpu.wait_dma2 semaphore(%run_scoped3A : memref<!tpu.dma_semaphore, #tpu.memory_space<semaphore_mem>>) src(%arg5 : memref<64x128xf32, #tpu.memory_space<hbm>>) dst(%dma_wait3A_158 : memref<64x128xf32, #tpu.memory_space<vmem_shared>>)
      tpu.yield
    }) : () -> ()
    %add3A_2 = arith.constant 64 : i32
    %add3A_3 = arith.addi %mul3A_0, %add3A_2 : i32
    "tpu.region"() ({
      %run_scoped3A = tpu.sem_alloc : memref<!tpu.dma_semaphore, #tpu.memory_space<semaphore_mem>>
      %dma_start3A_155 = arith.constant 0 : i32
      %dma_start3A_156 = tpu.memref_slice %arg9[%add3A_3, %dma_start3A_155] : memref<10240x128xf32, #tpu.memory_space<vmem_shared>> -> memref<64x128xf32, #tpu.memory_space<vmem_shared>>
      tpu.enqueue_dma source(%arg5 : memref<64x128xf32, #tpu.memory_space<hbm>>) target(%dma_start3A_156 : memref<64x128xf32, #tpu.memory_space<vmem_shared>>) target_semaphore(%run_scoped3A : memref<!tpu.dma_semaphore, #tpu.memory_space<semaphore_mem>>)
      %dma_wait3A_157 = arith.constant 0 : i32
      %dma_wait3A_158 = tpu.memref_slice %arg9[%add3A_3, %dma_wait3A_157] : memref<10240x128xf32, #tpu.memory_space<vmem_shared>> -> memref<64x128xf32, #tpu.memory_space<vmem_shared>>
      tpu.wait_dma2 semaphore(%run_scoped3A : memref<!tpu.dma_semaphore, #tpu.memory_space<semaphore_mem>>) src(%arg5 : memref<64x128xf32, #tpu.memory_space<hbm>>) dst(%dma_wait3A_158 : memref<64x128xf32, #tpu.memory_space<vmem_shared>>)
      tpu.yield
    }) : () -> ()
    %add3A_4 = arith.constant 128 : i32
    %add3A_5 = arith.addi %mul3A_0, %add3A_4 : i32
    "tpu.region"() ({
      %run_scoped3A = tpu.sem_alloc : memref<!tpu.dma_semaphore, #tpu.memory_space<semaphore_mem>>
      %dma_start3A_155 = arith.constant 0 : i32
      %dma_start3A_156 = tpu.memref_slice %arg9[%add3A_5, %dma_start3A_155] : memref<10240x128xf32, #tpu.memory_space<vmem_shared>> -> memref<64x128xf32, #tpu.memory_space<vmem_shared>>
      tpu.enqueue_dma source(%arg5 : memref<64x128xf32, #tpu.memory_space<hbm>>) target(%dma_start3A_156 : memref<64x128xf32, #tpu.memory_space<vmem_shared>>) target_semaphore(%run_scoped3A : memref<!tpu.dma_semaphore, #tpu.memory_space<semaphore_mem>>)
      %dma_wait3A_157 = arith.constant 0 : i32
      %dma_wait3A_158 = tpu.memref_slice %arg9[%add3A_5, %dma_wait3A_157] : memref<10240x128xf32, #tpu.memory_space<vmem_shared>> -> memref<64x128xf32, #tpu.memory_space<vmem_shared>>
      tpu.wait_dma2 semaphore(%run_scoped3A : memref<!tpu.dma_semaphore, #tpu.memory_space<semaphore_mem>>) src(%arg5 : memref<64x128xf32, #tpu.memory_space<hbm>>) dst(%dma_wait3A_158 : memref<64x128xf32, #tpu.memory_space<vmem_shared>>)
      tpu.yield
    }) : () -> ()
    %add3A_6 = arith.constant 192 : i32
    %add3A_7 = arith.addi %mul3A_0, %add3A_6 : i32
    "tpu.region"() ({
      %run_scoped3A = tpu.sem_alloc : memref<!tpu.dma_semaphore, #tpu.memory_space<semaphore_mem>>
      %dma_start3A_155 = arith.constant 0 : i32
      %dma_start3A_156 = tpu.memref_slice %arg9[%add3A_7, %dma_start3A_155] : memref<10240x128xf32, #tpu.memory_space<vmem_shared>> -> memref<64x128xf32, #tpu.memory_space<vmem_shared>>
      tpu.enqueue_dma source(%arg5 : memref<64x128xf32, #tpu.memory_space<hbm>>) target(%dma_start3A_156 : memref<64x128xf32, #tpu.memory_space<vmem_shared>>) target_semaphore(%run_scoped3A : memref<!tpu.dma_semaphore, #tpu.memory_space<semaphore_mem>>)
      %dma_wait3A_157 = arith.constant 0 : i32
      %dma_wait3A_158 = tpu.memref_slice %arg9[%add3A_7, %dma_wait3A_157] : memref<10240x128xf32, #tpu.memory_space<vmem_shared>> -> memref<64x128xf32, #tpu.memory_space<vmem_shared>>
      tpu.wait_dma2 semaphore(%run_scoped3A : memref<!tpu.dma_semaphore, #tpu.memory_space<semaphore_mem>>) src(%arg5 : memref<64x128xf32, #tpu.memory_space<hbm>>) dst(%dma_wait3A_158 : memref<64x128xf32, #tpu.memory_space<vmem_shared>>)
      tpu.yield
    }) : () -> ()
    %add3A_8 = arith.constant 256 : i32
    %add3A_9 = arith.addi %mul3A_0, %add3A_8 : i32
    "tpu.region"() ({
      %run_scoped3A = tpu.sem_alloc : memref<!tpu.dma_semaphore, #tpu.memory_space<semaphore_mem>>
      %dma_start3A_155 = arith.constant 0 : i32
      %dma_start3A_156 = tpu.memref_slice %arg9[%add3A_9, %dma_start3A_155] : memref<10240x128xf32, #tpu.memory_space<vmem_shared>> -> memref<64x128xf32, #tpu.memory_space<vmem_shared>>
      tpu.enqueue_dma source(%arg5 : memref<64x128xf32, #tpu.memory_space<hbm>>) target(%dma_start3A_156 : memref<64x128xf32, #tpu.memory_space<vmem_shared>>) target_semaphore(%run_scoped3A : memref<!tpu.dma_semaphore, #tpu.memory_space<semaphore_mem>>)
      %dma_wait3A_157 = arith.constant 0 : i32
      %dma_wait3A_158 = tpu.memref_slice %arg9[%add3A_9, %dma_wait3A_157] : memref<10240x128xf32, #tpu.memory_space<vmem_shared>> -> memref<64x128xf32, #tpu.memory_space<vmem_shared>>
      tpu.wait_dma2 semaphore(%run_scoped3A : memref<!tpu.dma_semaphore, #tpu.memory_space<semaphore_mem>>) src(%arg5 : memref<64x128xf32, #tpu.memory_space<hbm>>) dst(%dma_wait3A_158 : memref<64x128xf32, #tpu.memory_space<vmem_shared>>)
      tpu.yield
    }) : () -> ()
    %add3A_10 = arith.constant 320 : i32
    %add3A_11 = arith.addi %mul3A_0, %add3A_10 : i32
    "tpu.region"() ({
      %run_scoped3A = tpu.sem_alloc : memref<!tpu.dma_semaphore, #tpu.memory_space<semaphore_mem>>
      %dma_start3A_155 = arith.constant 0 : i32
      %dma_start3A_156 = tpu.memref_slice %arg9[%add3A_11, %dma_start3A_155] : memref<10240x128xf32, #tpu.memory_space<vmem_shared>> -> memref<64x128xf32, #tpu.memory_space<vmem_shared>>
      tpu.enqueue_dma source(%arg5 : memref<64x128xf32, #tpu.memory_space<hbm>>) target(%dma_start3A_156 : memref<64x128xf32, #tpu.memory_space<vmem_shared>>) target_semaphore(%run_scoped3A : memref<!tpu.dma_semaphore, #tpu.memory_space<semaphore_mem>>)
      %dma_wait3A_157 = arith.constant 0 : i32
      %dma_wait3A_158 = tpu.memref_slice %arg9[%add3A_11, %dma_wait3A_157] : memref<10240x128xf32, #tpu.memory_space<vmem_shared>> -> memref<64x128xf32, #tpu.memory_space<vmem_shared>>
      tpu.wait_dma2 semaphore(%run_scoped3A : memref<!tpu.dma_semaphore, #tpu.memory_space<semaphore_mem>>) src(%arg5 : memref<64x128xf32, #tpu.memory_space<hbm>>) dst(%dma_wait3A_158 : memref<64x128xf32, #tpu.memory_space<vmem_shared>>)
      tpu.yield
    }) : () -> ()
    %add3A_12 = arith.constant 384 : i32
    %add3A_13 = arith.addi %mul3A_0, %add3A_12 : i32
    "tpu.region"() ({
      %run_scoped3A = tpu.sem_alloc : memref<!tpu.dma_semaphore, #tpu.memory_space<semaphore_mem>>
      %dma_start3A_155 = arith.constant 0 : i32
      %dma_start3A_156 = tpu.memref_slice %arg9[%add3A_13, %dma_start3A_155] : memref<10240x128xf32, #tpu.memory_space<vmem_shared>> -> memref<64x128xf32, #tpu.memory_space<vmem_shared>>
      tpu.enqueue_dma source(%arg5 : memref<64x128xf32, #tpu.memory_space<hbm>>) target(%dma_start3A_156 : memref<64x128xf32, #tpu.memory_space<vmem_shared>>) target_semaphore(%run_scoped3A : memref<!tpu.dma_semaphore, #tpu.memory_space<semaphore_mem>>)
      %dma_wait3A_157 = arith.constant 0 : i32
      %dma_wait3A_158 = tpu.memref_slice %arg9[%add3A_13, %dma_wait3A_157] : memref<10240x128xf32, #tpu.memory_space<vmem_shared>> -> memref<64x128xf32, #tpu.memory_space<vmem_shared>>
      tpu.wait_dma2 semaphore(%run_scoped3A : memref<!tpu.dma_semaphore, #tpu.memory_space<semaphore_mem>>) src(%arg5 : memref<64x128xf32, #tpu.memory_space<hbm>>) dst(%dma_wait3A_158 : memref<64x128xf32, #tpu.memory_space<vmem_shared>>)
      tpu.yield
    }) : () -> ()
    %add3A_14 = arith.constant 448 : i32
    %add3A_15 = arith.addi %mul3A_0, %add3A_14 : i32
    "tpu.region"() ({
      %run_scoped3A = tpu.sem_alloc : memref<!tpu.dma_semaphore, #tpu.memory_space<semaphore_mem>>
      %dma_start3A_155 = arith.constant 0 : i32
      %dma_start3A_156 = tpu.memref_slice %arg9[%add3A_15, %dma_start3A_155] : memref<10240x128xf32, #tpu.memory_space<vmem_shared>> -> memref<64x128xf32, #tpu.memory_space<vmem_shared>>
      tpu.enqueue_dma source(%arg5 : memref<64x128xf32, #tpu.memory_space<hbm>>) target(%dma_start3A_156 : memref<64x128xf32, #tpu.memory_space<vmem_shared>>) target_semaphore(%run_scoped3A : memref<!tpu.dma_semaphore, #tpu.memory_space<semaphore_mem>>)
      %dma_wait3A_157 = arith.constant 0 : i32
      %dma_wait3A_158 = tpu.memref_slice %arg9[%add3A_15, %dma_wait3A_157] : memref<10240x128xf32, #tpu.memory_space<vmem_shared>> -> memref<64x128xf32, #tpu.memory_space<vmem_shared>>
      tpu.wait_dma2 semaphore(%run_scoped3A : memref<!tpu.dma_semaphore, #tpu.memory_space<semaphore_mem>>) src(%arg5 : memref<64x128xf32, #tpu.memory_space<hbm>>) dst(%dma_wait3A_158 : memref<64x128xf32, #tpu.memory_space<vmem_shared>>)
      tpu.yield
    }) : () -> ()
    %add3A_16 = arith.constant 512 : i32
    %add3A_17 = arith.addi %mul3A_0, %add3A_16 : i32
    "tpu.region"() ({
      %run_scoped3A = tpu.sem_alloc : memref<!tpu.dma_semaphore, #tpu.memory_space<semaphore_mem>>
      %dma_start3A_155 = arith.constant 0 : i32
      %dma_start3A_156 = tpu.memref_slice %arg9[%add3A_17, %dma_start3A_155] : memref<10240x128xf32, #tpu.memory_space<vmem_shared>> -> memref<64x128xf32, #tpu.memory_space<vmem_shared>>
      tpu.enqueue_dma source(%arg5 : memref<64x128xf32, #tpu.memory_space<hbm>>) target(%dma_start3A_156 : memref<64x128xf32, #tpu.memory_space<vmem_shared>>) target_semaphore(%run_scoped3A : memref<!tpu.dma_semaphore, #tpu.memory_space<semaphore_mem>>)
      %dma_wait3A_157 = arith.constant 0 : i32
      %dma_wait3A_158 = tpu.memref_slice %arg9[%add3A_17, %dma_wait3A_157] : memref<10240x128xf32, #tpu.memory_space<vmem_shared>> -> memref<64x128xf32, #tpu.memory_space<vmem_shared>>
      tpu.wait_dma2 semaphore(%run_scoped3A : memref<!tpu.dma_semaphore, #tpu.memory_space<semaphore_mem>>) src(%arg5 : memref<64x128xf32, #tpu.memory_space<hbm>>) dst(%dma_wait3A_158 : memref<64x128xf32, #tpu.memory_space<vmem_shared>>)
      tpu.yield
    }) : () -> ()
    %add3A_18 = arith.constant 576 : i32
    %add3A_19 = arith.addi %mul3A_0, %add3A_18 : i32
    "tpu.region"() ({
      %run_scoped3A = tpu.sem_alloc : memref<!tpu.dma_semaphore, #tpu.memory_space<semaphore_mem>>
      %dma_start3A_155 = arith.constant 0 : i32
      %dma_start3A_156 = tpu.memref_slice %arg9[%add3A_19, %dma_start3A_155] : memref<10240x128xf32, #tpu.memory_space<vmem_shared>> -> memref<64x128xf32, #tpu.memory_space<vmem_shared>>
      tpu.enqueue_dma source(%arg5 : memref<64x128xf32, #tpu.memory_space<hbm>>) target(%dma_start3A_156 : memref<64x128xf32, #tpu.memory_space<vmem_shared>>) target_semaphore(%run_scoped3A : memref<!tpu.dma_semaphore, #tpu.memory_space<semaphore_mem>>)
      %dma_wait3A_157 = arith.constant 0 : i32
      %dma_wait3A_158 = tpu.memref_slice %arg9[%add3A_19, %dma_wait3A_157] : memref<10240x128xf32, #tpu.memory_space<vmem_shared>> -> memref<64x128xf32, #tpu.memory_space<vmem_shared>>
      tpu.wait_dma2 semaphore(%run_scoped3A : memref<!tpu.dma_semaphore, #tpu.memory_space<semaphore_mem>>) src(%arg5 : memref<64x128xf32, #tpu.memory_space<hbm>>) dst(%dma_wait3A_158 : memref<64x128xf32, #tpu.memory_space<vmem_shared>>)
      tpu.yield
    }) : () -> ()
    %barrier3A = arith.constant 0 : index
    tpu.barrier barrier_id(%barrier3A)
    %mul3A_20 = arith.constant 10000 : i32
    %mul3A_21 = arith.muli %arg1, %mul3A_20 : i32
    %scan3A = arith.constant 0 : i32
    %scan3A_22 = arith.constant 0 : i32
    %scan3A_23 = arith.constant 62 : i32
    %scan3A_24 = arith.addi %scan3A_22, %scan3A_23 : i32
    %scan3A_25 = arith.constant 1 : i32
    %scan3A_26 = scf.for %scan3A_155 = %scan3A_22 to %scan3A_24 step %scan3A_25 iter_args(%scan3A_156 = %scan3A) -> (i32)  : i32 {
      %mul3A_157 = arith.constant 2 : i32
      %mul3A_158 = arith.muli %mul3A_157, %scan3A_155 : i32
      %mul3A_159 = arith.constant 80 : i32
      %mul3A_160 = arith.muli %mul3A_158, %mul3A_159 : i32
      %add3A_161 = arith.addi %mul3A_21, %mul3A_160 : i32
      %add3A_162 = arith.constant 80 : i32
      %add3A_163 = arith.addi %add3A_161, %add3A_162 : i32
      %mul3A_164 = arith.constant 160000 : i32
      %mul3A_165 = arith.muli %arg0, %mul3A_164 : i32
      %add3A_166 = arith.addi %mul3A_165, %add3A_161 : i32
      "tpu.region"() ({
        %run_scoped3A = tpu.sem_alloc : memref<!tpu.dma_semaphore, #tpu.memory_space<semaphore_mem>>
        %dma_start3A_195 = tpu.memref_slice %arg3[%add3A_166] : memref<320000xi32, #tpu.memory_space<hbm>> -> memref<80xi32, #tpu.memory_space<hbm>>
        %dma_start3A_196 = tpu.memref_slice %arg3[%add3A_166] : memref<320000xi32, #tpu.memory_space<hbm>> -> memref<80xi32, #tpu.memory_space<hbm>>
        tpu.enqueue_dma source(%dma_start3A_196 : memref<80xi32, #tpu.memory_space<hbm>>) target(%arg10 : memref<80xi32, #tpu.memory_space<vmem>>) target_semaphore(%run_scoped3A : memref<!tpu.dma_semaphore, #tpu.memory_space<semaphore_mem>>)
        %dma_wait3A_197 = tpu.memref_slice %arg3[%add3A_166] : memref<320000xi32, #tpu.memory_space<hbm>> -> memref<80xi32, #tpu.memory_space<hbm>>
        %dma_wait3A_198 = tpu.memref_slice %arg3[%add3A_166] : memref<320000xi32, #tpu.memory_space<hbm>> -> memref<80xi32, #tpu.memory_space<hbm>>
        tpu.wait_dma2 semaphore(%run_scoped3A : memref<!tpu.dma_semaphore, #tpu.memory_space<semaphore_mem>>) src(%dma_wait3A_198 : memref<80xi32, #tpu.memory_space<hbm>>) dst(%arg10 : memref<80xi32, #tpu.memory_space<vmem>>)
        tpu.yield
      }) : () -> ()
      "tpu.region"() ({
        %run_scoped3A = tpu.sem_alloc : memref<!tpu.dma_semaphore, #tpu.memory_space<semaphore_mem>>
        %dma_start3A_195 = tpu.memref_slice %arg4[%add3A_161] : memref<160000xi32, #tpu.memory_space<hbm>> -> memref<80xi32, #tpu.memory_space<hbm>>
        %dma_start3A_196 = tpu.memref_slice %arg4[%add3A_161] : memref<160000xi32, #tpu.memory_space<hbm>> -> memref<80xi32, #tpu.memory_space<hbm>>
        tpu.enqueue_dma source(%dma_start3A_196 : memref<80xi32, #tpu.memory_space<hbm>>) target(%arg11 : memref<80xi32, #tpu.memory_space<vmem>>) target_semaphore(%run_scoped3A : memref<!tpu.dma_semaphore, #tpu.memory_space<semaphore_mem>>)
        %dma_wait3A_197 = tpu.memref_slice %arg4[%add3A_161] : memref<160000xi32, #tpu.memory_space<hbm>> -> memref<80xi32, #tpu.memory_space<hbm>>
        %dma_wait3A_198 = tpu.memref_slice %arg4[%add3A_161] : memref<160000xi32, #tpu.memory_space<hbm>> -> memref<80xi32, #tpu.memory_space<hbm>>
        tpu.wait_dma2 semaphore(%run_scoped3A : memref<!tpu.dma_semaphore, #tpu.memory_space<semaphore_mem>>) src(%dma_wait3A_198 : memref<80xi32, #tpu.memory_space<hbm>>) dst(%arg11 : memref<80xi32, #tpu.memory_space<vmem>>)
        tpu.yield
      }) : () -> ()
      %dma_start3A_167 = arith.constant 0 : i32
      %dma_start3A_168 = arith.constant 0 : i32
      %dma_start3A_169 = tpu.memref_slice %arg2[%dma_start3A_167, %dma_start3A_168] : memref<20000x128xf32, #tpu.memory_space<hbm>> -> memref<20000x128xf32, #tpu.memory_space<hbm>>
      tpu.enqueue_indirect_dma source(%dma_start3A_169 : memref<20000x128xf32, #tpu.memory_space<hbm>>) target(%arg13 : memref<80x128xf32, #tpu.memory_space<vmem>>) offsets(%arg10 : memref<80xi32, #tpu.memory_space<vmem>>) semaphore(%arg18 : memref<!tpu.dma_semaphore, #tpu.memory_space<semaphore_mem>>)
      %mul3A_170 = arith.constant 160000 : i32
      %mul3A_171 = arith.muli %arg0, %mul3A_170 : i32
      %add3A_172 = arith.addi %mul3A_171, %add3A_163 : i32
      "tpu.region"() ({
        %run_scoped3A = tpu.sem_alloc : memref<!tpu.dma_semaphore, #tpu.memory_space<semaphore_mem>>
        %dma_start3A_195 = tpu.memref_slice %arg3[%add3A_172] : memref<320000xi32, #tpu.memory_space<hbm>> -> memref<80xi32, #tpu.memory_space<hbm>>
        %dma_start3A_196 = tpu.memref_slice %arg3[%add3A_172] : memref<320000xi32, #tpu.memory_space<hbm>> -> memref<80xi32, #tpu.memory_space<hbm>>
        tpu.enqueue_dma source(%dma_start3A_196 : memref<80xi32, #tpu.memory_space<hbm>>) target(%arg14 : memref<80xi32, #tpu.memory_space<vmem>>) target_semaphore(%run_scoped3A : memref<!tpu.dma_semaphore, #tpu.memory_space<semaphore_mem>>)
        %dma_wait3A_197 = tpu.memref_slice %arg3[%add3A_172] : memref<320000xi32, #tpu.memory_space<hbm>> -> memref<80xi32, #tpu.memory_space<hbm>>
        %dma_wait3A_198 = tpu.memref_slice %arg3[%add3A_172] : memref<320000xi32, #tpu.memory_space<hbm>> -> memref<80xi32, #tpu.memory_space<hbm>>
        tpu.wait_dma2 semaphore(%run_scoped3A : memref<!tpu.dma_semaphore, #tpu.memory_space<semaphore_mem>>) src(%dma_wait3A_198 : memref<80xi32, #tpu.memory_space<hbm>>) dst(%arg14 : memref<80xi32, #tpu.memory_space<vmem>>)
        tpu.yield
      }) : () -> ()
      "tpu.region"() ({
        %run_scoped3A = tpu.sem_alloc : memref<!tpu.dma_semaphore, #tpu.memory_space<semaphore_mem>>
        %dma_start3A_195 = tpu.memref_slice %arg4[%add3A_163] : memref<160000xi32, #tpu.memory_space<hbm>> -> memref<80xi32, #tpu.memory_space<hbm>>
        %dma_start3A_196 = tpu.memref_slice %arg4[%add3A_163] : memref<160000xi32, #tpu.memory_space<hbm>> -> memref<80xi32, #tpu.memory_space<hbm>>
        tpu.enqueue_dma source(%dma_start3A_196 : memref<80xi32, #tpu.memory_space<hbm>>) target(%arg15 : memref<80xi32, #tpu.memory_space<vmem>>) target_semaphore(%run_scoped3A : memref<!tpu.dma_semaphore, #tpu.memory_space<semaphore_mem>>)
        %dma_wait3A_197 = tpu.memref_slice %arg4[%add3A_163] : memref<160000xi32, #tpu.memory_space<hbm>> -> memref<80xi32, #tpu.memory_space<hbm>>
        %dma_wait3A_198 = tpu.memref_slice %arg4[%add3A_163] : memref<160000xi32, #tpu.memory_space<hbm>> -> memref<80xi32, #tpu.memory_space<hbm>>
        tpu.wait_dma2 semaphore(%run_scoped3A : memref<!tpu.dma_semaphore, #tpu.memory_space<semaphore_mem>>) src(%dma_wait3A_198 : memref<80xi32, #tpu.memory_space<hbm>>) dst(%arg15 : memref<80xi32, #tpu.memory_space<vmem>>)
        tpu.yield
      }) : () -> ()
      %dma_wait3A_173 = arith.constant 0 : i32
      %dma_wait3A_174 = arith.constant 0 : i32
      %dma_wait3A_175 = tpu.memref_slice %arg2[%dma_wait3A_173, %dma_wait3A_174] : memref<20000x128xf32, #tpu.memory_space<hbm>> -> memref<20000x128xf32, #tpu.memory_space<hbm>>
      tpu.wait_indirect_dma semaphore(%arg18 : memref<!tpu.dma_semaphore, #tpu.memory_space<semaphore_mem>>) src(%dma_wait3A_175 : memref<20000x128xf32, #tpu.memory_space<hbm>>) dst(%arg13 : memref<80x128xf32, #tpu.memory_space<vmem>>)
      %dma_start3A_176 = arith.constant 0 : i32
      %dma_start3A_177 = arith.constant 0 : i32
      %dma_start3A_178 = tpu.memref_slice %arg2[%dma_start3A_176, %dma_start3A_177] : memref<20000x128xf32, #tpu.memory_space<hbm>> -> memref<20000x128xf32, #tpu.memory_space<hbm>>
      tpu.enqueue_indirect_dma source(%dma_start3A_178 : memref<20000x128xf32, #tpu.memory_space<hbm>>) target(%arg17 : memref<80x128xf32, #tpu.memory_space<vmem>>) offsets(%arg14 : memref<80xi32, #tpu.memory_space<vmem>>) semaphore(%arg19 : memref<!tpu.dma_semaphore, #tpu.memory_space<semaphore_mem>>)
      %dma_start3A_179 = arith.constant 0 : i32
      %dma_start3A_180 = arith.constant 0 : i32
      %dma_start3A_181 = tpu.memref_slice %arg9[%dma_start3A_179, %dma_start3A_180] : memref<10240x128xf32, #tpu.memory_space<vmem_shared>> -> memref<10240x128xf32, #tpu.memory_space<vmem_shared>>
      tpu.enqueue_indirect_dma source(%arg13 : memref<80x128xf32, #tpu.memory_space<vmem>>) target(%dma_start3A_181 : memref<10240x128xf32, #tpu.memory_space<vmem_shared>>) offsets(%arg11 : memref<80xi32, #tpu.memory_space<vmem>>) semaphore(%arg20 : memref<!tpu.dma_semaphore, #tpu.memory_space<semaphore_mem>>) {add = true}
      %dma_wait3A_182 = arith.constant 0 : i32
      %dma_wait3A_183 = arith.constant 0 : i32
      %dma_wait3A_184 = tpu.memref_slice %arg2[%dma_wait3A_182, %dma_wait3A_183] : memref<20000x128xf32, #tpu.memory_space<hbm>> -> memref<20000x128xf32, #tpu.memory_space<hbm>>
      tpu.wait_indirect_dma semaphore(%arg19 : memref<!tpu.dma_semaphore, #tpu.memory_space<semaphore_mem>>) src(%dma_wait3A_184 : memref<20000x128xf32, #tpu.memory_space<hbm>>) dst(%arg17 : memref<80x128xf32, #tpu.memory_space<vmem>>)
      %dma_start3A_185 = arith.constant 0 : i32
      %dma_start3A_186 = arith.constant 0 : i32
      %dma_start3A_187 = tpu.memref_slice %arg9[%dma_start3A_185, %dma_start3A_186] : memref<10240x128xf32, #tpu.memory_space<vmem_shared>> -> memref<10240x128xf32, #tpu.memory_space<vmem_shared>>
      tpu.enqueue_indirect_dma source(%arg17 : memref<80x128xf32, #tpu.memory_space<vmem>>) target(%dma_start3A_187 : memref<10240x128xf32, #tpu.memory_space<vmem_shared>>) offsets(%arg15 : memref<80xi32, #tpu.memory_space<vmem>>) semaphore(%arg21 : memref<!tpu.dma_semaphore, #tpu.memory_space<semaphore_mem>>) {add = true}
      %dma_wait3A_188 = arith.constant 0 : i32
      %dma_wait3A_189 = arith.constant 0 : i32
      %dma_wait3A_190 = tpu.memref_slice %arg9[%dma_wait3A_188, %dma_wait3A_189] : memref<10240x128xf32, #tpu.memory_space<vmem_shared>> -> memref<10240x128xf32, #tpu.memory_space<vmem_shared>>
      tpu.wait_indirect_dma semaphore(%arg20 : memref<!tpu.dma_semaphore, #tpu.memory_space<semaphore_mem>>) src(%arg13 : memref<80x128xf32, #tpu.memory_space<vmem>>) dst(%dma_wait3A_190 : memref<10240x128xf32, #tpu.memory_space<vmem_shared>>)
      %dma_wait3A_191 = arith.constant 0 : i32
      %dma_wait3A_192 = arith.constant 0 : i32
      %dma_wait3A_193 = tpu.memref_slice %arg9[%dma_wait3A_191, %dma_wait3A_192] : memref<10240x128xf32, #tpu.memory_space<vmem_shared>> -> memref<10240x128xf32, #tpu.memory_space<vmem_shared>>
      tpu.wait_indirect_dma semaphore(%arg21 : memref<!tpu.dma_semaphore, #tpu.memory_space<semaphore_mem>>) src(%arg17 : memref<80x128xf32, #tpu.memory_space<vmem>>) dst(%dma_wait3A_193 : memref<10240x128xf32, #tpu.memory_space<vmem_shared>>)
      %scan3A_194 = arith.constant 0 : i32
      scf.yield %scan3A_194 : i32
    }
    %scan3A_27 = arith.constant 62 : i32
    %add3A_28 = arith.constant 9920 : i32
    %add3A_29 = arith.addi %mul3A_21, %add3A_28 : i32
    %mul3A_30 = arith.constant 160000 : i32
    %mul3A_31 = arith.muli %arg0, %mul3A_30 : i32
    %add3A_32 = arith.addi %mul3A_31, %add3A_29 : i32
    "tpu.region"() ({
      %run_scoped3A = tpu.sem_alloc : memref<!tpu.dma_semaphore, #tpu.memory_space<semaphore_mem>>
      %dma_start3A_155 = tpu.memref_slice %arg3[%add3A_32] : memref<320000xi32, #tpu.memory_space<hbm>> -> memref<80xi32, #tpu.memory_space<hbm>>
      %dma_start3A_156 = tpu.memref_slice %arg3[%add3A_32] : memref<320000xi32, #tpu.memory_space<hbm>> -> memref<80xi32, #tpu.memory_space<hbm>>
      tpu.enqueue_dma source(%dma_start3A_156 : memref<80xi32, #tpu.memory_space<hbm>>) target(%arg10 : memref<80xi32, #tpu.memory_space<vmem>>) target_semaphore(%run_scoped3A : memref<!tpu.dma_semaphore, #tpu.memory_space<semaphore_mem>>)
      %dma_wait3A_157 = tpu.memref_slice %arg3[%add3A_32] : memref<320000xi32, #tpu.memory_space<hbm>> -> memref<80xi32, #tpu.memory_space<hbm>>
      %dma_wait3A_158 = tpu.memref_slice %arg3[%add3A_32] : memref<320000xi32, #tpu.memory_space<hbm>> -> memref<80xi32, #tpu.memory_space<hbm>>
      tpu.wait_dma2 semaphore(%run_scoped3A : memref<!tpu.dma_semaphore, #tpu.memory_space<semaphore_mem>>) src(%dma_wait3A_158 : memref<80xi32, #tpu.memory_space<hbm>>) dst(%arg10 : memref<80xi32, #tpu.memory_space<vmem>>)
      tpu.yield
    }) : () -> ()
    "tpu.region"() ({
      %run_scoped3A = tpu.sem_alloc : memref<!tpu.dma_semaphore, #tpu.memory_space<semaphore_mem>>
      %dma_start3A_155 = tpu.memref_slice %arg4[%add3A_29] : memref<160000xi32, #tpu.memory_space<hbm>> -> memref<80xi32, #tpu.memory_space<hbm>>
      %dma_start3A_156 = tpu.memref_slice %arg4[%add3A_29] : memref<160000xi32, #tpu.memory_space<hbm>> -> memref<80xi32, #tpu.memory_space<hbm>>
      tpu.enqueue_dma source(%dma_start3A_156 : memref<80xi32, #tpu.memory_space<hbm>>) target(%arg11 : memref<80xi32, #tpu.memory_space<vmem>>) target_semaphore(%run_scoped3A : memref<!tpu.dma_semaphore, #tpu.memory_space<semaphore_mem>>)
      %dma_wait3A_157 = tpu.memref_slice %arg4[%add3A_29] : memref<160000xi32, #tpu.memory_space<hbm>> -> memref<80xi32, #tpu.memory_space<hbm>>
      %dma_wait3A_158 = tpu.memref_slice %arg4[%add3A_29] : memref<160000xi32, #tpu.memory_space<hbm>> -> memref<80xi32, #tpu.memory_space<hbm>>
      tpu.wait_dma2 semaphore(%run_scoped3A : memref<!tpu.dma_semaphore, #tpu.memory_space<semaphore_mem>>) src(%dma_wait3A_158 : memref<80xi32, #tpu.memory_space<hbm>>) dst(%arg11 : memref<80xi32, #tpu.memory_space<vmem>>)
      tpu.yield
    }) : () -> ()
    %dma_start3A = arith.constant 0 : i32
    %dma_start3A_33 = arith.constant 0 : i32
    %dma_start3A_34 = tpu.memref_slice %arg2[%dma_start3A, %dma_start3A_33] : memref<20000x128xf32, #tpu.memory_space<hbm>> -> memref<20000x128xf32, #tpu.memory_space<hbm>>
    tpu.enqueue_indirect_dma source(%dma_start3A_34 : memref<20000x128xf32, #tpu.memory_space<hbm>>) target(%arg13 : memref<80x128xf32, #tpu.memory_space<vmem>>) offsets(%arg10 : memref<80xi32, #tpu.memory_space<vmem>>) semaphore(%arg18 : memref<!tpu.dma_semaphore, #tpu.memory_space<semaphore_mem>>)
    %dma_wait3A = arith.constant 0 : i32
    %dma_wait3A_35 = arith.constant 0 : i32
    %dma_wait3A_36 = tpu.memref_slice %arg2[%dma_wait3A, %dma_wait3A_35] : memref<20000x128xf32, #tpu.memory_space<hbm>> -> memref<20000x128xf32, #tpu.memory_space<hbm>>
    tpu.wait_indirect_dma semaphore(%arg18 : memref<!tpu.dma_semaphore, #tpu.memory_space<semaphore_mem>>) src(%dma_wait3A_36 : memref<20000x128xf32, #tpu.memory_space<hbm>>) dst(%arg13 : memref<80x128xf32, #tpu.memory_space<vmem>>)
    "tpu.region"() ({
      %run_scoped3A = tpu.sem_alloc : memref<!tpu.dma_semaphore, #tpu.memory_space<semaphore_mem>>
      %dma_start3A_155 = arith.constant 0 : i32
      %dma_start3A_156 = arith.constant 0 : i32
      %dma_start3A_157 = tpu.memref_slice %arg9[%dma_start3A_155, %dma_start3A_156] : memref<10240x128xf32, #tpu.memory_space<vmem_shared>> -> memref<10240x128xf32, #tpu.memory_space<vmem_shared>>
      tpu.enqueue_indirect_dma source(%arg13 : memref<80x128xf32, #tpu.memory_space<vmem>>) target(%dma_start3A_157 : memref<10240x128xf32, #tpu.memory_space<vmem_shared>>) offsets(%arg11 : memref<80xi32, #tpu.memory_space<vmem>>) semaphore(%run_scoped3A : memref<!tpu.dma_semaphore, #tpu.memory_space<semaphore_mem>>) {add = true}
      %dma_wait3A_158 = arith.constant 0 : i32
      %dma_wait3A_159 = arith.constant 0 : i32
      %dma_wait3A_160 = tpu.memref_slice %arg9[%dma_wait3A_158, %dma_wait3A_159] : memref<10240x128xf32, #tpu.memory_space<vmem_shared>> -> memref<10240x128xf32, #tpu.memory_space<vmem_shared>>
      tpu.wait_indirect_dma semaphore(%run_scoped3A : memref<!tpu.dma_semaphore, #tpu.memory_space<semaphore_mem>>) src(%arg13 : memref<80x128xf32, #tpu.memory_space<vmem>>) dst(%dma_wait3A_160 : memref<10240x128xf32, #tpu.memory_space<vmem_shared>>)
      tpu.yield
    }) : () -> ()
    %barrier3A_37 = arith.constant 0 : index
    tpu.barrier barrier_id(%barrier3A_37)
    %add3A_38 = arith.constant 0 : i32
    %add3A_39 = arith.addi %mul3A_0, %add3A_38 : i32
    %add3A_40 = arith.constant 0 : i32
    %add3A_41 = arith.addi %mul3A_0, %add3A_40 : i32
    "tpu.region"() ({
      %run_scoped3A = tpu.sem_alloc : memref<!tpu.dma_semaphore, #tpu.memory_space<semaphore_mem>>
      %dma_start3A_155 = arith.constant 0 : i32
      %dma_start3A_156 = tpu.memref_slice %arg7[%arg0, %add3A_41, %dma_start3A_155] : memref<2x10240x128xf32, #tpu.memory_space<hbm>> -> memref<1x64x128xf32, #tpu.memory_space<hbm>>
      %dma_start3A_157 = tpu.memref_squeeze %dma_start3A_156 : memref<1x64x128xf32, #tpu.memory_space<hbm>> -> memref<64x128xf32, #tpu.memory_space<hbm>>
      %dma_start3A_158 = arith.constant 0 : i32
      %dma_start3A_159 = tpu.memref_slice %arg9[%add3A_39, %dma_start3A_158] : memref<10240x128xf32, #tpu.memory_space<vmem_shared>> -> memref<64x128xf32, #tpu.memory_space<vmem_shared>>
      tpu.enqueue_dma source(%dma_start3A_159 : memref<64x128xf32, #tpu.memory_space<vmem_shared>>) target(%dma_start3A_157 : memref<64x128xf32, #tpu.memory_space<hbm>>) target_semaphore(%run_scoped3A : memref<!tpu.dma_semaphore, #tpu.memory_space<semaphore_mem>>)
      %dma_wait3A_160 = arith.constant 0 : i32
      %dma_wait3A_161 = tpu.memref_slice %arg7[%arg0, %add3A_41, %dma_wait3A_160] : memref<2x10240x128xf32, #tpu.memory_space<hbm>> -> memref<1x64x128xf32, #tpu.memory_space<hbm>>
      %dma_wait3A_162 = tpu.memref_squeeze %dma_wait3A_161 : memref<1x64x128xf32, #tpu.memory_space<hbm>> -> memref<64x128xf32, #tpu.memory_space<hbm>>
      %dma_wait3A_163 = arith.constant 0 : i32
      %dma_wait3A_164 = tpu.memref_slice %arg9[%add3A_39, %dma_wait3A_163] : memref<10240x128xf32, #tpu.memory_space<vmem_shared>> -> memref<64x128xf32, #tpu.memory_space<vmem_shared>>
      tpu.wait_dma2 semaphore(%run_scoped3A : memref<!tpu.dma_semaphore, #tpu.memory_space<semaphore_mem>>) src(%dma_wait3A_164 : memref<64x128xf32, #tpu.memory_space<vmem_shared>>) dst(%dma_wait3A_162 : memref<64x128xf32, #tpu.memory_space<hbm>>)
      tpu.yield
    }) : () -> ()
    %add3A_42 = arith.constant 64 : i32
    %add3A_43 = arith.addi %mul3A_0, %add3A_42 : i32
    %add3A_44 = arith.constant 64 : i32
    %add3A_45 = arith.addi %mul3A_0, %add3A_44 : i32
    "tpu.region"() ({
      %run_scoped3A = tpu.sem_alloc : memref<!tpu.dma_semaphore, #tpu.memory_space<semaphore_mem>>
      %dma_start3A_155 = arith.constant 0 : i32
      %dma_start3A_156 = tpu.memref_slice %arg7[%arg0, %add3A_45, %dma_start3A_155] : memref<2x10240x128xf32, #tpu.memory_space<hbm>> -> memref<1x64x128xf32, #tpu.memory_space<hbm>>
      %dma_start3A_157 = tpu.memref_squeeze %dma_start3A_156 : memref<1x64x128xf32, #tpu.memory_space<hbm>> -> memref<64x128xf32, #tpu.memory_space<hbm>>
      %dma_start3A_158 = arith.constant 0 : i32
      %dma_start3A_159 = tpu.memref_slice %arg9[%add3A_43, %dma_start3A_158] : memref<10240x128xf32, #tpu.memory_space<vmem_shared>> -> memref<64x128xf32, #tpu.memory_space<vmem_shared>>
      tpu.enqueue_dma source(%dma_start3A_159 : memref<64x128xf32, #tpu.memory_space<vmem_shared>>) target(%dma_start3A_157 : memref<64x128xf32, #tpu.memory_space<hbm>>) target_semaphore(%run_scoped3A : memref<!tpu.dma_semaphore, #tpu.memory_space<semaphore_mem>>)
      %dma_wait3A_160 = arith.constant 0 : i32
      %dma_wait3A_161 = tpu.memref_slice %arg7[%arg0, %add3A_45, %dma_wait3A_160] : memref<2x10240x128xf32, #tpu.memory_space<hbm>> -> memref<1x64x128xf32, #tpu.memory_space<hbm>>
      %dma_wait3A_162 = tpu.memref_squeeze %dma_wait3A_161 : memref<1x64x128xf32, #tpu.memory_space<hbm>> -> memref<64x128xf32, #tpu.memory_space<hbm>>
      %dma_wait3A_163 = arith.constant 0 : i32
      %dma_wait3A_164 = tpu.memref_slice %arg9[%add3A_43, %dma_wait3A_163] : memref<10240x128xf32, #tpu.memory_space<vmem_shared>> -> memref<64x128xf32, #tpu.memory_space<vmem_shared>>
      tpu.wait_dma2 semaphore(%run_scoped3A : memref<!tpu.dma_semaphore, #tpu.memory_space<semaphore_mem>>) src(%dma_wait3A_164 : memref<64x128xf32, #tpu.memory_space<vmem_shared>>) dst(%dma_wait3A_162 : memref<64x128xf32, #tpu.memory_space<hbm>>)
      tpu.yield
    }) : () -> ()
    %add3A_46 = arith.constant 128 : i32
    %add3A_47 = arith.addi %mul3A_0, %add3A_46 : i32
    %add3A_48 = arith.constant 128 : i32
    %add3A_49 = arith.addi %mul3A_0, %add3A_48 : i32
    "tpu.region"() ({
      %run_scoped3A = tpu.sem_alloc : memref<!tpu.dma_semaphore, #tpu.memory_space<semaphore_mem>>
      %dma_start3A_155 = arith.constant 0 : i32
      %dma_start3A_156 = tpu.memref_slice %arg7[%arg0, %add3A_49, %dma_start3A_155] : memref<2x10240x128xf32, #tpu.memory_space<hbm>> -> memref<1x64x128xf32, #tpu.memory_space<hbm>>
      %dma_start3A_157 = tpu.memref_squeeze %dma_start3A_156 : memref<1x64x128xf32, #tpu.memory_space<hbm>> -> memref<64x128xf32, #tpu.memory_space<hbm>>
      %dma_start3A_158 = arith.constant 0 : i32
      %dma_start3A_159 = tpu.memref_slice %arg9[%add3A_47, %dma_start3A_158] : memref<10240x128xf32, #tpu.memory_space<vmem_shared>> -> memref<64x128xf32, #tpu.memory_space<vmem_shared>>
      tpu.enqueue_dma source(%dma_start3A_159 : memref<64x128xf32, #tpu.memory_space<vmem_shared>>) target(%dma_start3A_157 : memref<64x128xf32, #tpu.memory_space<hbm>>) target_semaphore(%run_scoped3A : memref<!tpu.dma_semaphore, #tpu.memory_space<semaphore_mem>>)
      %dma_wait3A_160 = arith.constant 0 : i32
      %dma_wait3A_161 = tpu.memref_slice %arg7[%arg0, %add3A_49, %dma_wait3A_160] : memref<2x10240x128xf32, #tpu.memory_space<hbm>> -> memref<1x64x128xf32, #tpu.memory_space<hbm>>
      %dma_wait3A_162 = tpu.memref_squeeze %dma_wait3A_161 : memref<1x64x128xf32, #tpu.memory_space<hbm>> -> memref<64x128xf32, #tpu.memory_space<hbm>>
      %dma_wait3A_163 = arith.constant 0 : i32
      %dma_wait3A_164 = tpu.memref_slice %arg9[%add3A_47, %dma_wait3A_163] : memref<10240x128xf32, #tpu.memory_space<vmem_shared>> -> memref<64x128xf32, #tpu.memory_space<vmem_shared>>
      tpu.wait_dma2 semaphore(%run_scoped3A : memref<!tpu.dma_semaphore, #tpu.memory_space<semaphore_mem>>) src(%dma_wait3A_164 : memref<64x128xf32, #tpu.memory_space<vmem_shared>>) dst(%dma_wait3A_162 : memref<64x128xf32, #tpu.memory_space<hbm>>)
      tpu.yield
    }) : () -> ()
    %add3A_50 = arith.constant 192 : i32
    %add3A_51 = arith.addi %mul3A_0, %add3A_50 : i32
    %add3A_52 = arith.constant 192 : i32
    %add3A_53 = arith.addi %mul3A_0, %add3A_52 : i32
    "tpu.region"() ({
      %run_scoped3A = tpu.sem_alloc : memref<!tpu.dma_semaphore, #tpu.memory_space<semaphore_mem>>
      %dma_start3A_155 = arith.constant 0 : i32
      %dma_start3A_156 = tpu.memref_slice %arg7[%arg0, %add3A_53, %dma_start3A_155] : memref<2x10240x128xf32, #tpu.memory_space<hbm>> -> memref<1x64x128xf32, #tpu.memory_space<hbm>>
      %dma_start3A_157 = tpu.memref_squeeze %dma_start3A_156 : memref<1x64x128xf32, #tpu.memory_space<hbm>> -> memref<64x128xf32, #tpu.memory_space<hbm>>
      %dma_start3A_158 = arith.constant 0 : i32
      %dma_start3A_159 = tpu.memref_slice %arg9[%add3A_51, %dma_start3A_158] : memref<10240x128xf32, #tpu.memory_space<vmem_shared>> -> memref<64x128xf32, #tpu.memory_space<vmem_shared>>
      tpu.enqueue_dma source(%dma_start3A_159 : memref<64x128xf32, #tpu.memory_space<vmem_shared>>) target(%dma_start3A_157 : memref<64x128xf32, #tpu.memory_space<hbm>>) target_semaphore(%run_scoped3A : memref<!tpu.dma_semaphore, #tpu.memory_space<semaphore_mem>>)
      %dma_wait3A_160 = arith.constant 0 : i32
      %dma_wait3A_161 = tpu.memref_slice %arg7[%arg0, %add3A_53, %dma_wait3A_160] : memref<2x10240x128xf32, #tpu.memory_space<hbm>> -> memref<1x64x128xf32, #tpu.memory_space<hbm>>
      %dma_wait3A_162 = tpu.memref_squeeze %dma_wait3A_161 : memref<1x64x128xf32, #tpu.memory_space<hbm>> -> memref<64x128xf32, #tpu.memory_space<hbm>>
      %dma_wait3A_163 = arith.constant 0 : i32
      %dma_wait3A_164 = tpu.memref_slice %arg9[%add3A_51, %dma_wait3A_163] : memref<10240x128xf32, #tpu.memory_space<vmem_shared>> -> memref<64x128xf32, #tpu.memory_space<vmem_shared>>
      tpu.wait_dma2 semaphore(%run_scoped3A : memref<!tpu.dma_semaphore, #tpu.memory_space<semaphore_mem>>) src(%dma_wait3A_164 : memref<64x128xf32, #tpu.memory_space<vmem_shared>>) dst(%dma_wait3A_162 : memref<64x128xf32, #tpu.memory_space<hbm>>)
      tpu.yield
    }) : () -> ()
    %add3A_54 = arith.constant 256 : i32
    %add3A_55 = arith.addi %mul3A_0, %add3A_54 : i32
    %add3A_56 = arith.constant 256 : i32
    %add3A_57 = arith.addi %mul3A_0, %add3A_56 : i32
    "tpu.region"() ({
      %run_scoped3A = tpu.sem_alloc : memref<!tpu.dma_semaphore, #tpu.memory_space<semaphore_mem>>
      %dma_start3A_155 = arith.constant 0 : i32
      %dma_start3A_156 = tpu.memref_slice %arg7[%arg0, %add3A_57, %dma_start3A_155] : memref<2x10240x128xf32, #tpu.memory_space<hbm>> -> memref<1x64x128xf32, #tpu.memory_space<hbm>>
      %dma_start3A_157 = tpu.memref_squeeze %dma_start3A_156 : memref<1x64x128xf32, #tpu.memory_space<hbm>> -> memref<64x128xf32, #tpu.memory_space<hbm>>
      %dma_start3A_158 = arith.constant 0 : i32
      %dma_start3A_159 = tpu.memref_slice %arg9[%add3A_55, %dma_start3A_158] : memref<10240x128xf32, #tpu.memory_space<vmem_shared>> -> memref<64x128xf32, #tpu.memory_space<vmem_shared>>
      tpu.enqueue_dma source(%dma_start3A_159 : memref<64x128xf32, #tpu.memory_space<vmem_shared>>) target(%dma_start3A_157 : memref<64x128xf32, #tpu.memory_space<hbm>>) target_semaphore(%run_scoped3A : memref<!tpu.dma_semaphore, #tpu.memory_space<semaphore_mem>>)
      %dma_wait3A_160 = arith.constant 0 : i32
      %dma_wait3A_161 = tpu.memref_slice %arg7[%arg0, %add3A_57, %dma_wait3A_160] : memref<2x10240x128xf32, #tpu.memory_space<hbm>> -> memref<1x64x128xf32, #tpu.memory_space<hbm>>
      %dma_wait3A_162 = tpu.memref_squeeze %dma_wait3A_161 : memref<1x64x128xf32, #tpu.memory_space<hbm>> -> memref<64x128xf32, #tpu.memory_space<hbm>>
      %dma_wait3A_163 = arith.constant 0 : i32
      %dma_wait3A_164 = tpu.memref_slice %arg9[%add3A_55, %dma_wait3A_163] : memref<10240x128xf32, #tpu.memory_space<vmem_shared>> -> memref<64x128xf32, #tpu.memory_space<vmem_shared>>
      tpu.wait_dma2 semaphore(%run_scoped3A : memref<!tpu.dma_semaphore, #tpu.memory_space<semaphore_mem>>) src(%dma_wait3A_164 : memref<64x128xf32, #tpu.memory_space<vmem_shared>>) dst(%dma_wait3A_162 : memref<64x128xf32, #tpu.memory_space<hbm>>)
      tpu.yield
    }) : () -> ()
    %add3A_58 = arith.constant 320 : i32
    %add3A_59 = arith.addi %mul3A_0, %add3A_58 : i32
    %add3A_60 = arith.constant 320 : i32
    %add3A_61 = arith.addi %mul3A_0, %add3A_60 : i32
    "tpu.region"() ({
      %run_scoped3A = tpu.sem_alloc : memref<!tpu.dma_semaphore, #tpu.memory_space<semaphore_mem>>
      %dma_start3A_155 = arith.constant 0 : i32
      %dma_start3A_156 = tpu.memref_slice %arg7[%arg0, %add3A_61, %dma_start3A_155] : memref<2x10240x128xf32, #tpu.memory_space<hbm>> -> memref<1x64x128xf32, #tpu.memory_space<hbm>>
      %dma_start3A_157 = tpu.memref_squeeze %dma_start3A_156 : memref<1x64x128xf32, #tpu.memory_space<hbm>> -> memref<64x128xf32, #tpu.memory_space<hbm>>
      %dma_start3A_158 = arith.constant 0 : i32
      %dma_start3A_159 = tpu.memref_slice %arg9[%add3A_59, %dma_start3A_158] : memref<10240x128xf32, #tpu.memory_space<vmem_shared>> -> memref<64x128xf32, #tpu.memory_space<vmem_shared>>
      tpu.enqueue_dma source(%dma_start3A_159 : memref<64x128xf32, #tpu.memory_space<vmem_shared>>) target(%dma_start3A_157 : memref<64x128xf32, #tpu.memory_space<hbm>>) target_semaphore(%run_scoped3A : memref<!tpu.dma_semaphore, #tpu.memory_space<semaphore_mem>>)
      %dma_wait3A_160 = arith.constant 0 : i32
      %dma_wait3A_161 = tpu.memref_slice %arg7[%arg0, %add3A_61, %dma_wait3A_160] : memref<2x10240x128xf32, #tpu.memory_space<hbm>> -> memref<1x64x128xf32, #tpu.memory_space<hbm>>
      %dma_wait3A_162 = tpu.memref_squeeze %dma_wait3A_161 : memref<1x64x128xf32, #tpu.memory_space<hbm>> -> memref<64x128xf32, #tpu.memory_space<hbm>>
      %dma_wait3A_163 = arith.constant 0 : i32
      %dma_wait3A_164 = tpu.memref_slice %arg9[%add3A_59, %dma_wait3A_163] : memref<10240x128xf32, #tpu.memory_space<vmem_shared>> -> memref<64x128xf32, #tpu.memory_space<vmem_shared>>
      tpu.wait_dma2 semaphore(%run_scoped3A : memref<!tpu.dma_semaphore, #tpu.memory_space<semaphore_mem>>) src(%dma_wait3A_164 : memref<64x128xf32, #tpu.memory_space<vmem_shared>>) dst(%dma_wait3A_162 : memref<64x128xf32, #tpu.memory_space<hbm>>)
      tpu.yield
    }) : () -> ()
    %add3A_62 = arith.constant 384 : i32
    %add3A_63 = arith.addi %mul3A_0, %add3A_62 : i32
    %add3A_64 = arith.constant 384 : i32
    %add3A_65 = arith.addi %mul3A_0, %add3A_64 : i32
    "tpu.region"() ({
      %run_scoped3A = tpu.sem_alloc : memref<!tpu.dma_semaphore, #tpu.memory_space<semaphore_mem>>
      %dma_start3A_155 = arith.constant 0 : i32
      %dma_start3A_156 = tpu.memref_slice %arg7[%arg0, %add3A_65, %dma_start3A_155] : memref<2x10240x128xf32, #tpu.memory_space<hbm>> -> memref<1x64x128xf32, #tpu.memory_space<hbm>>
      %dma_start3A_157 = tpu.memref_squeeze %dma_start3A_156 : memref<1x64x128xf32, #tpu.memory_space<hbm>> -> memref<64x128xf32, #tpu.memory_space<hbm>>
      %dma_start3A_158 = arith.constant 0 : i32
      %dma_start3A_159 = tpu.memref_slice %arg9[%add3A_63, %dma_start3A_158] : memref<10240x128xf32, #tpu.memory_space<vmem_shared>> -> memref<64x128xf32, #tpu.memory_space<vmem_shared>>
      tpu.enqueue_dma source(%dma_start3A_159 : memref<64x128xf32, #tpu.memory_space<vmem_shared>>) target(%dma_start3A_157 : memref<64x128xf32, #tpu.memory_space<hbm>>) target_semaphore(%run_scoped3A : memref<!tpu.dma_semaphore, #tpu.memory_space<semaphore_mem>>)
      %dma_wait3A_160 = arith.constant 0 : i32
      %dma_wait3A_161 = tpu.memref_slice %arg7[%arg0, %add3A_65, %dma_wait3A_160] : memref<2x10240x128xf32, #tpu.memory_space<hbm>> -> memref<1x64x128xf32, #tpu.memory_space<hbm>>
      %dma_wait3A_162 = tpu.memref_squeeze %dma_wait3A_161 : memref<1x64x128xf32, #tpu.memory_space<hbm>> -> memref<64x128xf32, #tpu.memory_space<hbm>>
      %dma_wait3A_163 = arith.constant 0 : i32
      %dma_wait3A_164 = tpu.memref_slice %arg9[%add3A_63, %dma_wait3A_163] : memref<10240x128xf32, #tpu.memory_space<vmem_shared>> -> memref<64x128xf32, #tpu.memory_space<vmem_shared>>
      tpu.wait_dma2 semaphore(%run_scoped3A : memref<!tpu.dma_semaphore, #tpu.memory_space<semaphore_mem>>) src(%dma_wait3A_164 : memref<64x128xf32, #tpu.memory_space<vmem_shared>>) dst(%dma_wait3A_162 : memref<64x128xf32, #tpu.memory_space<hbm>>)
      tpu.yield
    }) : () -> ()
    %add3A_66 = arith.constant 448 : i32
    %add3A_67 = arith.addi %mul3A_0, %add3A_66 : i32
    %add3A_68 = arith.constant 448 : i32
    %add3A_69 = arith.addi %mul3A_0, %add3A_68 : i32
    "tpu.region"() ({
      %run_scoped3A = tpu.sem_alloc : memref<!tpu.dma_semaphore, #tpu.memory_space<semaphore_mem>>
      %dma_start3A_155 = arith.constant 0 : i32
      %dma_start3A_156 = tpu.memref_slice %arg7[%arg0, %add3A_69, %dma_start3A_155] : memref<2x10240x128xf32, #tpu.memory_space<hbm>> -> memref<1x64x128xf32, #tpu.memory_space<hbm>>
      %dma_start3A_157 = tpu.memref_squeeze %dma_start3A_156 : memref<1x64x128xf32, #tpu.memory_space<hbm>> -> memref<64x128xf32, #tpu.memory_space<hbm>>
      %dma_start3A_158 = arith.constant 0 : i32
      %dma_start3A_159 = tpu.memref_slice %arg9[%add3A_67, %dma_start3A_158] : memref<10240x128xf32, #tpu.memory_space<vmem_shared>> -> memref<64x128xf32, #tpu.memory_space<vmem_shared>>
      tpu.enqueue_dma source(%dma_start3A_159 : memref<64x128xf32, #tpu.memory_space<vmem_shared>>) target(%dma_start3A_157 : memref<64x128xf32, #tpu.memory_space<hbm>>) target_semaphore(%run_scoped3A : memref<!tpu.dma_semaphore, #tpu.memory_space<semaphore_mem>>)
      %dma_wait3A_160 = arith.constant 0 : i32
      %dma_wait3A_161 = tpu.memref_slice %arg7[%arg0, %add3A_69, %dma_wait3A_160] : memref<2x10240x128xf32, #tpu.memory_space<hbm>> -> memref<1x64x128xf32, #tpu.memory_space<hbm>>
      %dma_wait3A_162 = tpu.memref_squeeze %dma_wait3A_161 : memref<1x64x128xf32, #tpu.memory_space<hbm>> -> memref<64x128xf32, #tpu.memory_space<hbm>>
      %dma_wait3A_163 = arith.constant 0 : i32
      %dma_wait3A_164 = tpu.memref_slice %arg9[%add3A_67, %dma_wait3A_163] : memref<10240x128xf32, #tpu.memory_space<vmem_shared>> -> memref<64x128xf32, #tpu.memory_space<vmem_shared>>
      tpu.wait_dma2 semaphore(%run_scoped3A : memref<!tpu.dma_semaphore, #tpu.memory_space<semaphore_mem>>) src(%dma_wait3A_164 : memref<64x128xf32, #tpu.memory_space<vmem_shared>>) dst(%dma_wait3A_162 : memref<64x128xf32, #tpu.memory_space<hbm>>)
      tpu.yield
    }) : () -> ()
    %add3A_70 = arith.constant 512 : i32
    %add3A_71 = arith.addi %mul3A_0, %add3A_70 : i32
    %add3A_72 = arith.constant 512 : i32
    %add3A_73 = arith.addi %mul3A_0, %add3A_72 : i32
    "tpu.region"() ({
      %run_scoped3A = tpu.sem_alloc : memref<!tpu.dma_semaphore, #tpu.memory_space<semaphore_mem>>
      %dma_start3A_155 = arith.constant 0 : i32
      %dma_start3A_156 = tpu.memref_slice %arg7[%arg0, %add3A_73, %dma_start3A_155] : memref<2x10240x128xf32, #tpu.memory_space<hbm>> -> memref<1x64x128xf32, #tpu.memory_space<hbm>>
      %dma_start3A_157 = tpu.memref_squeeze %dma_start3A_156 : memref<1x64x128xf32, #tpu.memory_space<hbm>> -> memref<64x128xf32, #tpu.memory_space<hbm>>
      %dma_start3A_158 = arith.constant 0 : i32
      %dma_start3A_159 = tpu.memref_slice %arg9[%add3A_71, %dma_start3A_158] : memref<10240x128xf32, #tpu.memory_space<vmem_shared>> -> memref<64x128xf32, #tpu.memory_space<vmem_shared>>
      tpu.enqueue_dma source(%dma_start3A_159 : memref<64x128xf32, #tpu.memory_space<vmem_shared>>) target(%dma_start3A_157 : memref<64x128xf32, #tpu.memory_space<hbm>>) target_semaphore(%run_scoped3A : memref<!tpu.dma_semaphore, #tpu.memory_space<semaphore_mem>>)
      %dma_wait3A_160 = arith.constant 0 : i32
      %dma_wait3A_161 = tpu.memref_slice %arg7[%arg0, %add3A_73, %dma_wait3A_160] : memref<2x10240x128xf32, #tpu.memory_space<hbm>> -> memref<1x64x128xf32, #tpu.memory_space<hbm>>
      %dma_wait3A_162 = tpu.memref_squeeze %dma_wait3A_161 : memref<1x64x128xf32, #tpu.memory_space<hbm>> -> memref<64x128xf32, #tpu.memory_space<hbm>>
      %dma_wait3A_163 = arith.constant 0 : i32
      %dma_wait3A_164 = tpu.memref_slice %arg9[%add3A_71, %dma_wait3A_163] : memref<10240x128xf32, #tpu.memory_space<vmem_shared>> -> memref<64x128xf32, #tpu.memory_space<vmem_shared>>
      tpu.wait_dma2 semaphore(%run_scoped3A : memref<!tpu.dma_semaphore, #tpu.memory_space<semaphore_mem>>) src(%dma_wait3A_164 : memref<64x128xf32, #tpu.memory_space<vmem_shared>>) dst(%dma_wait3A_162 : memref<64x128xf32, #tpu.memory_space<hbm>>)
      tpu.yield
    }) : () -> ()
    %add3A_74 = arith.constant 576 : i32
    %add3A_75 = arith.addi %mul3A_0, %add3A_74 : i32
    %add3A_76 = arith.constant 576 : i32
    %add3A_77 = arith.addi %mul3A_0, %add3A_76 : i32
    "tpu.region"() ({
      %run_scoped3A = tpu.sem_alloc : memref<!tpu.dma_semaphore, #tpu.memory_space<semaphore_mem>>
      %dma_start3A_155 = arith.constant 0 : i32
      %dma_start3A_156 = tpu.memref_slice %arg7[%arg0, %add3A_77, %dma_start3A_155] : memref<2x10240x128xf32, #tpu.memory_space<hbm>> -> memref<1x64x128xf32, #tpu.memory_space<hbm>>
      %dma_start3A_157 = tpu.memref_squeeze %dma_start3A_156 : memref<1x64x128xf32, #tpu.memory_space<hbm>> -> memref<64x128xf32, #tpu.memory_space<hbm>>
      %dma_start3A_158 = arith.constant 0 : i32
      %dma_start3A_159 = tpu.memref_slice %arg9[%add3A_75, %dma_start3A_158] : memref<10240x128xf32, #tpu.memory_space<vmem_shared>> -> memref<64x128xf32, #tpu.memory_space<vmem_shared>>
      tpu.enqueue_dma source(%dma_start3A_159 : memref<64x128xf32, #tpu.memory_space<vmem_shared>>) target(%dma_start3A_157 : memref<64x128xf32, #tpu.memory_space<hbm>>) target_semaphore(%run_scoped3A : memref<!tpu.dma_semaphore, #tpu.memory_space<semaphore_mem>>)
      %dma_wait3A_160 = arith.constant 0 : i32
      %dma_wait3A_161 = tpu.memref_slice %arg7[%arg0, %add3A_77, %dma_wait3A_160] : memref<2x10240x128xf32, #tpu.memory_space<hbm>> -> memref<1x64x128xf32, #tpu.memory_space<hbm>>
      %dma_wait3A_162 = tpu.memref_squeeze %dma_wait3A_161 : memref<1x64x128xf32, #tpu.memory_space<hbm>> -> memref<64x128xf32, #tpu.memory_space<hbm>>
      %dma_wait3A_163 = arith.constant 0 : i32
      %dma_wait3A_164 = tpu.memref_slice %arg9[%add3A_75, %dma_wait3A_163] : memref<10240x128xf32, #tpu.memory_space<vmem_shared>> -> memref<64x128xf32, #tpu.memory_space<vmem_shared>>
      tpu.wait_dma2 semaphore(%run_scoped3A : memref<!tpu.dma_semaphore, #tpu.memory_space<semaphore_mem>>) src(%dma_wait3A_164 : memref<64x128xf32, #tpu.memory_space<vmem_shared>>) dst(%dma_wait3A_162 : memref<64x128xf32, #tpu.memory_space<hbm>>)
      tpu.yield
    }) : () -> ()
    %barrier3A_78 = arith.constant 0 : index
    tpu.barrier barrier_id(%barrier3A_78)
    %add3A_79 = arith.constant 0 : i32
    %add3A_80 = arith.addi %mul3A_0, %add3A_79 : i32
    "tpu.region"() ({
      %run_scoped3A = tpu.sem_alloc : memref<!tpu.dma_semaphore, #tpu.memory_space<semaphore_mem>>
      %dma_start3A_155 = arith.constant 0 : i32
      %dma_start3A_156 = tpu.memref_slice %arg9[%add3A_80, %dma_start3A_155] : memref<10240x128xf32, #tpu.memory_space<vmem_shared>> -> memref<64x128xf32, #tpu.memory_space<vmem_shared>>
      tpu.enqueue_dma source(%arg5 : memref<64x128xf32, #tpu.memory_space<hbm>>) target(%dma_start3A_156 : memref<64x128xf32, #tpu.memory_space<vmem_shared>>) target_semaphore(%run_scoped3A : memref<!tpu.dma_semaphore, #tpu.memory_space<semaphore_mem>>)
      %dma_wait3A_157 = arith.constant 0 : i32
      %dma_wait3A_158 = tpu.memref_slice %arg9[%add3A_80, %dma_wait3A_157] : memref<10240x128xf32, #tpu.memory_space<vmem_shared>> -> memref<64x128xf32, #tpu.memory_space<vmem_shared>>
      tpu.wait_dma2 semaphore(%run_scoped3A : memref<!tpu.dma_semaphore, #tpu.memory_space<semaphore_mem>>) src(%arg5 : memref<64x128xf32, #tpu.memory_space<hbm>>) dst(%dma_wait3A_158 : memref<64x128xf32, #tpu.memory_space<vmem_shared>>)
      tpu.yield
    }) : () -> ()
    %add3A_81 = arith.constant 64 : i32
    %add3A_82 = arith.addi %mul3A_0, %add3A_81 : i32
    "tpu.region"() ({
      %run_scoped3A = tpu.sem_alloc : memref<!tpu.dma_semaphore, #tpu.memory_space<semaphore_mem>>
      %dma_start3A_155 = arith.constant 0 : i32
      %dma_start3A_156 = tpu.memref_slice %arg9[%add3A_82, %dma_start3A_155] : memref<10240x128xf32, #tpu.memory_space<vmem_shared>> -> memref<64x128xf32, #tpu.memory_space<vmem_shared>>
      tpu.enqueue_dma source(%arg5 : memref<64x128xf32, #tpu.memory_space<hbm>>) target(%dma_start3A_156 : memref<64x128xf32, #tpu.memory_space<vmem_shared>>) target_semaphore(%run_scoped3A : memref<!tpu.dma_semaphore, #tpu.memory_space<semaphore_mem>>)
      %dma_wait3A_157 = arith.constant 0 : i32
      %dma_wait3A_158 = tpu.memref_slice %arg9[%add3A_82, %dma_wait3A_157] : memref<10240x128xf32, #tpu.memory_space<vmem_shared>> -> memref<64x128xf32, #tpu.memory_space<vmem_shared>>
      tpu.wait_dma2 semaphore(%run_scoped3A : memref<!tpu.dma_semaphore, #tpu.memory_space<semaphore_mem>>) src(%arg5 : memref<64x128xf32, #tpu.memory_space<hbm>>) dst(%dma_wait3A_158 : memref<64x128xf32, #tpu.memory_space<vmem_shared>>)
      tpu.yield
    }) : () -> ()
    %add3A_83 = arith.constant 128 : i32
    %add3A_84 = arith.addi %mul3A_0, %add3A_83 : i32
    "tpu.region"() ({
      %run_scoped3A = tpu.sem_alloc : memref<!tpu.dma_semaphore, #tpu.memory_space<semaphore_mem>>
      %dma_start3A_155 = arith.constant 0 : i32
      %dma_start3A_156 = tpu.memref_slice %arg9[%add3A_84, %dma_start3A_155] : memref<10240x128xf32, #tpu.memory_space<vmem_shared>> -> memref<64x128xf32, #tpu.memory_space<vmem_shared>>
      tpu.enqueue_dma source(%arg5 : memref<64x128xf32, #tpu.memory_space<hbm>>) target(%dma_start3A_156 : memref<64x128xf32, #tpu.memory_space<vmem_shared>>) target_semaphore(%run_scoped3A : memref<!tpu.dma_semaphore, #tpu.memory_space<semaphore_mem>>)
      %dma_wait3A_157 = arith.constant 0 : i32
      %dma_wait3A_158 = tpu.memref_slice %arg9[%add3A_84, %dma_wait3A_157] : memref<10240x128xf32, #tpu.memory_space<vmem_shared>> -> memref<64x128xf32, #tpu.memory_space<vmem_shared>>
      tpu.wait_dma2 semaphore(%run_scoped3A : memref<!tpu.dma_semaphore, #tpu.memory_space<semaphore_mem>>) src(%arg5 : memref<64x128xf32, #tpu.memory_space<hbm>>) dst(%dma_wait3A_158 : memref<64x128xf32, #tpu.memory_space<vmem_shared>>)
      tpu.yield
    }) : () -> ()
    %add3A_85 = arith.constant 192 : i32
    %add3A_86 = arith.addi %mul3A_0, %add3A_85 : i32
    "tpu.region"() ({
      %run_scoped3A = tpu.sem_alloc : memref<!tpu.dma_semaphore, #tpu.memory_space<semaphore_mem>>
      %dma_start3A_155 = arith.constant 0 : i32
      %dma_start3A_156 = tpu.memref_slice %arg9[%add3A_86, %dma_start3A_155] : memref<10240x128xf32, #tpu.memory_space<vmem_shared>> -> memref<64x128xf32, #tpu.memory_space<vmem_shared>>
      tpu.enqueue_dma source(%arg5 : memref<64x128xf32, #tpu.memory_space<hbm>>) target(%dma_start3A_156 : memref<64x128xf32, #tpu.memory_space<vmem_shared>>) target_semaphore(%run_scoped3A : memref<!tpu.dma_semaphore, #tpu.memory_space<semaphore_mem>>)
      %dma_wait3A_157 = arith.constant 0 : i32
      %dma_wait3A_158 = tpu.memref_slice %arg9[%add3A_86, %dma_wait3A_157] : memref<10240x128xf32, #tpu.memory_space<vmem_shared>> -> memref<64x128xf32, #tpu.memory_space<vmem_shared>>
      tpu.wait_dma2 semaphore(%run_scoped3A : memref<!tpu.dma_semaphore, #tpu.memory_space<semaphore_mem>>) src(%arg5 : memref<64x128xf32, #tpu.memory_space<hbm>>) dst(%dma_wait3A_158 : memref<64x128xf32, #tpu.memory_space<vmem_shared>>)
      tpu.yield
    }) : () -> ()
    %add3A_87 = arith.constant 256 : i32
    %add3A_88 = arith.addi %mul3A_0, %add3A_87 : i32
    "tpu.region"() ({
      %run_scoped3A = tpu.sem_alloc : memref<!tpu.dma_semaphore, #tpu.memory_space<semaphore_mem>>
      %dma_start3A_155 = arith.constant 0 : i32
      %dma_start3A_156 = tpu.memref_slice %arg9[%add3A_88, %dma_start3A_155] : memref<10240x128xf32, #tpu.memory_space<vmem_shared>> -> memref<64x128xf32, #tpu.memory_space<vmem_shared>>
      tpu.enqueue_dma source(%arg5 : memref<64x128xf32, #tpu.memory_space<hbm>>) target(%dma_start3A_156 : memref<64x128xf32, #tpu.memory_space<vmem_shared>>) target_semaphore(%run_scoped3A : memref<!tpu.dma_semaphore, #tpu.memory_space<semaphore_mem>>)
      %dma_wait3A_157 = arith.constant 0 : i32
      %dma_wait3A_158 = tpu.memref_slice %arg9[%add3A_88, %dma_wait3A_157] : memref<10240x128xf32, #tpu.memory_space<vmem_shared>> -> memref<64x128xf32, #tpu.memory_space<vmem_shared>>
      tpu.wait_dma2 semaphore(%run_scoped3A : memref<!tpu.dma_semaphore, #tpu.memory_space<semaphore_mem>>) src(%arg5 : memref<64x128xf32, #tpu.memory_space<hbm>>) dst(%dma_wait3A_158 : memref<64x128xf32, #tpu.memory_space<vmem_shared>>)
      tpu.yield
    }) : () -> ()
    %add3A_89 = arith.constant 320 : i32
    %add3A_90 = arith.addi %mul3A_0, %add3A_89 : i32
    "tpu.region"() ({
      %run_scoped3A = tpu.sem_alloc : memref<!tpu.dma_semaphore, #tpu.memory_space<semaphore_mem>>
      %dma_start3A_155 = arith.constant 0 : i32
      %dma_start3A_156 = tpu.memref_slice %arg9[%add3A_90, %dma_start3A_155] : memref<10240x128xf32, #tpu.memory_space<vmem_shared>> -> memref<64x128xf32, #tpu.memory_space<vmem_shared>>
      tpu.enqueue_dma source(%arg5 : memref<64x128xf32, #tpu.memory_space<hbm>>) target(%dma_start3A_156 : memref<64x128xf32, #tpu.memory_space<vmem_shared>>) target_semaphore(%run_scoped3A : memref<!tpu.dma_semaphore, #tpu.memory_space<semaphore_mem>>)
      %dma_wait3A_157 = arith.constant 0 : i32
      %dma_wait3A_158 = tpu.memref_slice %arg9[%add3A_90, %dma_wait3A_157] : memref<10240x128xf32, #tpu.memory_space<vmem_shared>> -> memref<64x128xf32, #tpu.memory_space<vmem_shared>>
      tpu.wait_dma2 semaphore(%run_scoped3A : memref<!tpu.dma_semaphore, #tpu.memory_space<semaphore_mem>>) src(%arg5 : memref<64x128xf32, #tpu.memory_space<hbm>>) dst(%dma_wait3A_158 : memref<64x128xf32, #tpu.memory_space<vmem_shared>>)
      tpu.yield
    }) : () -> ()
    %add3A_91 = arith.constant 384 : i32
    %add3A_92 = arith.addi %mul3A_0, %add3A_91 : i32
    "tpu.region"() ({
      %run_scoped3A = tpu.sem_alloc : memref<!tpu.dma_semaphore, #tpu.memory_space<semaphore_mem>>
      %dma_start3A_155 = arith.constant 0 : i32
      %dma_start3A_156 = tpu.memref_slice %arg9[%add3A_92, %dma_start3A_155] : memref<10240x128xf32, #tpu.memory_space<vmem_shared>> -> memref<64x128xf32, #tpu.memory_space<vmem_shared>>
      tpu.enqueue_dma source(%arg5 : memref<64x128xf32, #tpu.memory_space<hbm>>) target(%dma_start3A_156 : memref<64x128xf32, #tpu.memory_space<vmem_shared>>) target_semaphore(%run_scoped3A : memref<!tpu.dma_semaphore, #tpu.memory_space<semaphore_mem>>)
      %dma_wait3A_157 = arith.constant 0 : i32
      %dma_wait3A_158 = tpu.memref_slice %arg9[%add3A_92, %dma_wait3A_157] : memref<10240x128xf32, #tpu.memory_space<vmem_shared>> -> memref<64x128xf32, #tpu.memory_space<vmem_shared>>
      tpu.wait_dma2 semaphore(%run_scoped3A : memref<!tpu.dma_semaphore, #tpu.memory_space<semaphore_mem>>) src(%arg5 : memref<64x128xf32, #tpu.memory_space<hbm>>) dst(%dma_wait3A_158 : memref<64x128xf32, #tpu.memory_space<vmem_shared>>)
      tpu.yield
    }) : () -> ()
    %add3A_93 = arith.constant 448 : i32
    %add3A_94 = arith.addi %mul3A_0, %add3A_93 : i32
    "tpu.region"() ({
      %run_scoped3A = tpu.sem_alloc : memref<!tpu.dma_semaphore, #tpu.memory_space<semaphore_mem>>
      %dma_start3A_155 = arith.constant 0 : i32
      %dma_start3A_156 = tpu.memref_slice %arg9[%add3A_94, %dma_start3A_155] : memref<10240x128xf32, #tpu.memory_space<vmem_shared>> -> memref<64x128xf32, #tpu.memory_space<vmem_shared>>
      tpu.enqueue_dma source(%arg5 : memref<64x128xf32, #tpu.memory_space<hbm>>) target(%dma_start3A_156 : memref<64x128xf32, #tpu.memory_space<vmem_shared>>) target_semaphore(%run_scoped3A : memref<!tpu.dma_semaphore, #tpu.memory_space<semaphore_mem>>)
      %dma_wait3A_157 = arith.constant 0 : i32
      %dma_wait3A_158 = tpu.memref_slice %arg9[%add3A_94, %dma_wait3A_157] : memref<10240x128xf32, #tpu.memory_space<vmem_shared>> -> memref<64x128xf32, #tpu.memory_space<vmem_shared>>
      tpu.wait_dma2 semaphore(%run_scoped3A : memref<!tpu.dma_semaphore, #tpu.memory_space<semaphore_mem>>) src(%arg5 : memref<64x128xf32, #tpu.memory_space<hbm>>) dst(%dma_wait3A_158 : memref<64x128xf32, #tpu.memory_space<vmem_shared>>)
      tpu.yield
    }) : () -> ()
    %add3A_95 = arith.constant 512 : i32
    %add3A_96 = arith.addi %mul3A_0, %add3A_95 : i32
    "tpu.region"() ({
      %run_scoped3A = tpu.sem_alloc : memref<!tpu.dma_semaphore, #tpu.memory_space<semaphore_mem>>
      %dma_start3A_155 = arith.constant 0 : i32
      %dma_start3A_156 = tpu.memref_slice %arg9[%add3A_96, %dma_start3A_155] : memref<10240x128xf32, #tpu.memory_space<vmem_shared>> -> memref<64x128xf32, #tpu.memory_space<vmem_shared>>
      tpu.enqueue_dma source(%arg5 : memref<64x128xf32, #tpu.memory_space<hbm>>) target(%dma_start3A_156 : memref<64x128xf32, #tpu.memory_space<vmem_shared>>) target_semaphore(%run_scoped3A : memref<!tpu.dma_semaphore, #tpu.memory_space<semaphore_mem>>)
      %dma_wait3A_157 = arith.constant 0 : i32
      %dma_wait3A_158 = tpu.memref_slice %arg9[%add3A_96, %dma_wait3A_157] : memref<10240x128xf32, #tpu.memory_space<vmem_shared>> -> memref<64x128xf32, #tpu.memory_space<vmem_shared>>
      tpu.wait_dma2 semaphore(%run_scoped3A : memref<!tpu.dma_semaphore, #tpu.memory_space<semaphore_mem>>) src(%arg5 : memref<64x128xf32, #tpu.memory_space<hbm>>) dst(%dma_wait3A_158 : memref<64x128xf32, #tpu.memory_space<vmem_shared>>)
      tpu.yield
    }) : () -> ()
    %add3A_97 = arith.constant 576 : i32
    %add3A_98 = arith.addi %mul3A_0, %add3A_97 : i32
    "tpu.region"() ({
      %run_scoped3A = tpu.sem_alloc : memref<!tpu.dma_semaphore, #tpu.memory_space<semaphore_mem>>
      %dma_start3A_155 = arith.constant 0 : i32
      %dma_start3A_156 = tpu.memref_slice %arg9[%add3A_98, %dma_start3A_155] : memref<10240x128xf32, #tpu.memory_space<vmem_shared>> -> memref<64x128xf32, #tpu.memory_space<vmem_shared>>
      tpu.enqueue_dma source(%arg5 : memref<64x128xf32, #tpu.memory_space<hbm>>) target(%dma_start3A_156 : memref<64x128xf32, #tpu.memory_space<vmem_shared>>) target_semaphore(%run_scoped3A : memref<!tpu.dma_semaphore, #tpu.memory_space<semaphore_mem>>)
      %dma_wait3A_157 = arith.constant 0 : i32
      %dma_wait3A_158 = tpu.memref_slice %arg9[%add3A_98, %dma_wait3A_157] : memref<10240x128xf32, #tpu.memory_space<vmem_shared>> -> memref<64x128xf32, #tpu.memory_space<vmem_shared>>
      tpu.wait_dma2 semaphore(%run_scoped3A : memref<!tpu.dma_semaphore, #tpu.memory_space<semaphore_mem>>) src(%arg5 : memref<64x128xf32, #tpu.memory_space<hbm>>) dst(%dma_wait3A_158 : memref<64x128xf32, #tpu.memory_space<vmem_shared>>)
      tpu.yield
    }) : () -> ()
    "tpu.region"() ({
      %run_scoped3A = tpu.sem_alloc : memref<!tpu.dma_semaphore, #tpu.memory_space<semaphore_mem>>
      %dma_start3A_155 = arith.constant 0 : i32
      %dma_start3A_156 = arith.constant 0 : i32
      %dma_start3A_157 = tpu.memref_slice %arg13[%dma_start3A_155, %dma_start3A_156] : memref<80x128xf32, #tpu.memory_space<vmem>> -> memref<40x128xf32, #tpu.memory_space<vmem>>
      %dma_start3A_158 = arith.constant 0 : i32
      %dma_start3A_159 = arith.constant 0 : i32
      %dma_start3A_160 = tpu.memref_slice %arg13[%dma_start3A_158, %dma_start3A_159] : memref<80x128xf32, #tpu.memory_space<vmem>> -> memref<40x128xf32, #tpu.memory_space<vmem>>
      tpu.enqueue_dma source(%arg6 : memref<40x128xf32, #tpu.memory_space<hbm>>) target(%dma_start3A_160 : memref<40x128xf32, #tpu.memory_space<vmem>>) target_semaphore(%run_scoped3A : memref<!tpu.dma_semaphore, #tpu.memory_space<semaphore_mem>>)
      %dma_wait3A_161 = arith.constant 0 : i32
      %dma_wait3A_162 = arith.constant 0 : i32
      %dma_wait3A_163 = tpu.memref_slice %arg13[%dma_wait3A_161, %dma_wait3A_162] : memref<80x128xf32, #tpu.memory_space<vmem>> -> memref<40x128xf32, #tpu.memory_space<vmem>>
      %dma_wait3A_164 = arith.constant 0 : i32
      %dma_wait3A_165 = arith.constant 0 : i32
      %dma_wait3A_166 = tpu.memref_slice %arg13[%dma_wait3A_164, %dma_wait3A_165] : memref<80x128xf32, #tpu.memory_space<vmem>> -> memref<40x128xf32, #tpu.memory_space<vmem>>
      tpu.wait_dma2 semaphore(%run_scoped3A : memref<!tpu.dma_semaphore, #tpu.memory_space<semaphore_mem>>) src(%arg6 : memref<40x128xf32, #tpu.memory_space<hbm>>) dst(%dma_wait3A_166 : memref<40x128xf32, #tpu.memory_space<vmem>>)
      tpu.yield
    }) : () -> ()
    %barrier3A_99 = arith.constant 0 : index
    tpu.barrier barrier_id(%barrier3A_99)
    %mul3A_100 = arith.constant 16 : i32
    %mul3A_101 = arith.muli %arg0, %mul3A_100 : i32
    %add3A_102 = arith.addi %mul3A_101, %arg1 : i32
    %mul3A_103 = arith.constant 5000 : i32
    %mul3A_104 = arith.muli %add3A_102, %mul3A_103 : i32
    %scan3A_105 = arith.constant 0 : i32
    %scan3A_106 = arith.constant 0 : i32
    %scan3A_107 = arith.constant 62 : i32
    %scan3A_108 = arith.addi %scan3A_106, %scan3A_107 : i32
    %scan3A_109 = arith.constant 1 : i32
    %scan3A_110 = scf.for %scan3A_155 = %scan3A_106 to %scan3A_108 step %scan3A_109 iter_args(%scan3A_156 = %scan3A_105) -> (i32)  : i32 {
      %mul3A_157 = arith.constant 2 : i32
      %mul3A_158 = arith.muli %mul3A_157, %scan3A_155 : i32
      %mul3A_159 = arith.constant 40 : i32
      %mul3A_160 = arith.muli %mul3A_158, %mul3A_159 : i32
      %add3A_161 = arith.addi %mul3A_104, %mul3A_160 : i32
      %add3A_162 = arith.constant 40 : i32
      %add3A_163 = arith.addi %add3A_161, %add3A_162 : i32
      "tpu.region"() ({
        %run_scoped3A = tpu.sem_alloc : memref<!tpu.dma_semaphore, #tpu.memory_space<semaphore_mem>>
        %dma_start3A_189 = tpu.memref_slice %arg4[%add3A_161] : memref<160000xi32, #tpu.memory_space<hbm>> -> memref<40xi32, #tpu.memory_space<hbm>>
        %dma_start3A_190 = tpu.memref_slice %arg4[%add3A_161] : memref<160000xi32, #tpu.memory_space<hbm>> -> memref<40xi32, #tpu.memory_space<hbm>>
        tpu.enqueue_dma source(%dma_start3A_190 : memref<40xi32, #tpu.memory_space<hbm>>) target(%arg12 : memref<40xi32, #tpu.memory_space<vmem>>) target_semaphore(%run_scoped3A : memref<!tpu.dma_semaphore, #tpu.memory_space<semaphore_mem>>)
        %dma_wait3A_191 = tpu.memref_slice %arg4[%add3A_161] : memref<160000xi32, #tpu.memory_space<hbm>> -> memref<40xi32, #tpu.memory_space<hbm>>
        %dma_wait3A_192 = tpu.memref_slice %arg4[%add3A_161] : memref<160000xi32, #tpu.memory_space<hbm>> -> memref<40xi32, #tpu.memory_space<hbm>>
        tpu.wait_dma2 semaphore(%run_scoped3A : memref<!tpu.dma_semaphore, #tpu.memory_space<semaphore_mem>>) src(%dma_wait3A_192 : memref<40xi32, #tpu.memory_space<hbm>>) dst(%arg12 : memref<40xi32, #tpu.memory_space<vmem>>)
        tpu.yield
      }) : () -> ()
      %dma_start3A_164 = arith.constant 0 : i32
      %dma_start3A_165 = arith.constant 0 : i32
      %dma_start3A_166 = tpu.memref_slice %arg13[%dma_start3A_164, %dma_start3A_165] : memref<80x128xf32, #tpu.memory_space<vmem>> -> memref<40x128xf32, #tpu.memory_space<vmem>>
      %dma_start3A_167 = arith.constant 0 : i32
      %dma_start3A_168 = arith.constant 0 : i32
      %dma_start3A_169 = tpu.memref_slice %arg9[%dma_start3A_167, %dma_start3A_168] : memref<10240x128xf32, #tpu.memory_space<vmem_shared>> -> memref<10240x128xf32, #tpu.memory_space<vmem_shared>>
      tpu.enqueue_indirect_dma source(%dma_start3A_166 : memref<40x128xf32, #tpu.memory_space<vmem>>) target(%dma_start3A_169 : memref<10240x128xf32, #tpu.memory_space<vmem_shared>>) offsets(%arg12 : memref<40xi32, #tpu.memory_space<vmem>>) semaphore(%arg18 : memref<!tpu.dma_semaphore, #tpu.memory_space<semaphore_mem>>) {add = true}
      "tpu.region"() ({
        %run_scoped3A = tpu.sem_alloc : memref<!tpu.dma_semaphore, #tpu.memory_space<semaphore_mem>>
        %dma_start3A_189 = tpu.memref_slice %arg4[%add3A_163] : memref<160000xi32, #tpu.memory_space<hbm>> -> memref<40xi32, #tpu.memory_space<hbm>>
        %dma_start3A_190 = tpu.memref_slice %arg4[%add3A_163] : memref<160000xi32, #tpu.memory_space<hbm>> -> memref<40xi32, #tpu.memory_space<hbm>>
        tpu.enqueue_dma source(%dma_start3A_190 : memref<40xi32, #tpu.memory_space<hbm>>) target(%arg16 : memref<40xi32, #tpu.memory_space<vmem>>) target_semaphore(%run_scoped3A : memref<!tpu.dma_semaphore, #tpu.memory_space<semaphore_mem>>)
        %dma_wait3A_191 = tpu.memref_slice %arg4[%add3A_163] : memref<160000xi32, #tpu.memory_space<hbm>> -> memref<40xi32, #tpu.memory_space<hbm>>
        %dma_wait3A_192 = tpu.memref_slice %arg4[%add3A_163] : memref<160000xi32, #tpu.memory_space<hbm>> -> memref<40xi32, #tpu.memory_space<hbm>>
        tpu.wait_dma2 semaphore(%run_scoped3A : memref<!tpu.dma_semaphore, #tpu.memory_space<semaphore_mem>>) src(%dma_wait3A_192 : memref<40xi32, #tpu.memory_space<hbm>>) dst(%arg16 : memref<40xi32, #tpu.memory_space<vmem>>)
        tpu.yield
      }) : () -> ()
      %dma_wait3A_170 = arith.constant 0 : i32
      %dma_wait3A_171 = arith.constant 0 : i32
      %dma_wait3A_172 = tpu.memref_slice %arg13[%dma_wait3A_170, %dma_wait3A_171] : memref<80x128xf32, #tpu.memory_space<vmem>> -> memref<40x128xf32, #tpu.memory_space<vmem>>
      %dma_wait3A_173 = arith.constant 0 : i32
      %dma_wait3A_174 = arith.constant 0 : i32
      %dma_wait3A_175 = tpu.memref_slice %arg9[%dma_wait3A_173, %dma_wait3A_174] : memref<10240x128xf32, #tpu.memory_space<vmem_shared>> -> memref<10240x128xf32, #tpu.memory_space<vmem_shared>>
      tpu.wait_indirect_dma semaphore(%arg18 : memref<!tpu.dma_semaphore, #tpu.memory_space<semaphore_mem>>) src(%dma_wait3A_172 : memref<40x128xf32, #tpu.memory_space<vmem>>) dst(%dma_wait3A_175 : memref<10240x128xf32, #tpu.memory_space<vmem_shared>>)
      %dma_start3A_176 = arith.constant 0 : i32
      %dma_start3A_177 = arith.constant 0 : i32
      %dma_start3A_178 = tpu.memref_slice %arg13[%dma_start3A_176, %dma_start3A_177] : memref<80x128xf32, #tpu.memory_space<vmem>> -> memref<40x128xf32, #tpu.memory_space<vmem>>
      %dma_start3A_179 = arith.constant 0 : i32
      %dma_start3A_180 = arith.constant 0 : i32
      %dma_start3A_181 = tpu.memref_slice %arg9[%dma_start3A_179, %dma_start3A_180] : memref<10240x128xf32, #tpu.memory_space<vmem_shared>> -> memref<10240x128xf32, #tpu.memory_space<vmem_shared>>
      tpu.enqueue_indirect_dma source(%dma_start3A_178 : memref<40x128xf32, #tpu.memory_space<vmem>>) target(%dma_start3A_181 : memref<10240x128xf32, #tpu.memory_space<vmem_shared>>) offsets(%arg16 : memref<40xi32, #tpu.memory_space<vmem>>) semaphore(%arg19 : memref<!tpu.dma_semaphore, #tpu.memory_space<semaphore_mem>>) {add = true}
      %dma_wait3A_182 = arith.constant 0 : i32
      %dma_wait3A_183 = arith.constant 0 : i32
      %dma_wait3A_184 = tpu.memref_slice %arg13[%dma_wait3A_182, %dma_wait3A_183] : memref<80x128xf32, #tpu.memory_space<vmem>> -> memref<40x128xf32, #tpu.memory_space<vmem>>
      %dma_wait3A_185 = arith.constant 0 : i32
      %dma_wait3A_186 = arith.constant 0 : i32
      %dma_wait3A_187 = tpu.memref_slice %arg9[%dma_wait3A_185, %dma_wait3A_186] : memref<10240x128xf32, #tpu.memory_space<vmem_shared>> -> memref<10240x128xf32, #tpu.memory_space<vmem_shared>>
      tpu.wait_indirect_dma semaphore(%arg19 : memref<!tpu.dma_semaphore, #tpu.memory_space<semaphore_mem>>) src(%dma_wait3A_184 : memref<40x128xf32, #tpu.memory_space<vmem>>) dst(%dma_wait3A_187 : memref<10240x128xf32, #tpu.memory_space<vmem_shared>>)
      %scan3A_188 = arith.constant 0 : i32
      scf.yield %scan3A_188 : i32
    }
    %scan3A_111 = arith.constant 62 : i32
    %add3A_112 = arith.constant 4960 : i32
    %add3A_113 = arith.addi %mul3A_104, %add3A_112 : i32
    "tpu.region"() ({
      %run_scoped3A = tpu.sem_alloc : memref<!tpu.dma_semaphore, #tpu.memory_space<semaphore_mem>>
      %dma_start3A_155 = tpu.memref_slice %arg4[%add3A_113] : memref<160000xi32, #tpu.memory_space<hbm>> -> memref<40xi32, #tpu.memory_space<hbm>>
      %dma_start3A_156 = tpu.memref_slice %arg4[%add3A_113] : memref<160000xi32, #tpu.memory_space<hbm>> -> memref<40xi32, #tpu.memory_space<hbm>>
      tpu.enqueue_dma source(%dma_start3A_156 : memref<40xi32, #tpu.memory_space<hbm>>) target(%arg12 : memref<40xi32, #tpu.memory_space<vmem>>) target_semaphore(%run_scoped3A : memref<!tpu.dma_semaphore, #tpu.memory_space<semaphore_mem>>)
      %dma_wait3A_157 = tpu.memref_slice %arg4[%add3A_113] : memref<160000xi32, #tpu.memory_space<hbm>> -> memref<40xi32, #tpu.memory_space<hbm>>
      %dma_wait3A_158 = tpu.memref_slice %arg4[%add3A_113] : memref<160000xi32, #tpu.memory_space<hbm>> -> memref<40xi32, #tpu.memory_space<hbm>>
      tpu.wait_dma2 semaphore(%run_scoped3A : memref<!tpu.dma_semaphore, #tpu.memory_space<semaphore_mem>>) src(%dma_wait3A_158 : memref<40xi32, #tpu.memory_space<hbm>>) dst(%arg12 : memref<40xi32, #tpu.memory_space<vmem>>)
      tpu.yield
    }) : () -> ()
    "tpu.region"() ({
      %run_scoped3A = tpu.sem_alloc : memref<!tpu.dma_semaphore, #tpu.memory_space<semaphore_mem>>
      %dma_start3A_155 = arith.constant 0 : i32
      %dma_start3A_156 = arith.constant 0 : i32
      %dma_start3A_157 = tpu.memref_slice %arg13[%dma_start3A_155, %dma_start3A_156] : memref<80x128xf32, #tpu.memory_space<vmem>> -> memref<40x128xf32, #tpu.memory_space<vmem>>
      %dma_start3A_158 = arith.constant 0 : i32
      %dma_start3A_159 = arith.constant 0 : i32
      %dma_start3A_160 = tpu.memref_slice %arg9[%dma_start3A_158, %dma_start3A_159] : memref<10240x128xf32, #tpu.memory_space<vmem_shared>> -> memref<10240x128xf32, #tpu.memory_space<vmem_shared>>
      tpu.enqueue_indirect_dma source(%dma_start3A_157 : memref<40x128xf32, #tpu.memory_space<vmem>>) target(%dma_start3A_160 : memref<10240x128xf32, #tpu.memory_space<vmem_shared>>) offsets(%arg12 : memref<40xi32, #tpu.memory_space<vmem>>) semaphore(%run_scoped3A : memref<!tpu.dma_semaphore, #tpu.memory_space<semaphore_mem>>) {add = true}
      %dma_wait3A_161 = arith.constant 0 : i32
      %dma_wait3A_162 = arith.constant 0 : i32
      %dma_wait3A_163 = tpu.memref_slice %arg13[%dma_wait3A_161, %dma_wait3A_162] : memref<80x128xf32, #tpu.memory_space<vmem>> -> memref<40x128xf32, #tpu.memory_space<vmem>>
      %dma_wait3A_164 = arith.constant 0 : i32
      %dma_wait3A_165 = arith.constant 0 : i32
      %dma_wait3A_166 = tpu.memref_slice %arg9[%dma_wait3A_164, %dma_wait3A_165] : memref<10240x128xf32, #tpu.memory_space<vmem_shared>> -> memref<10240x128xf32, #tpu.memory_space<vmem_shared>>
      tpu.wait_indirect_dma semaphore(%run_scoped3A : memref<!tpu.dma_semaphore, #tpu.memory_space<semaphore_mem>>) src(%dma_wait3A_163 : memref<40x128xf32, #tpu.memory_space<vmem>>) dst(%dma_wait3A_166 : memref<10240x128xf32, #tpu.memory_space<vmem_shared>>)
      tpu.yield
    }) : () -> ()
    %barrier3A_114 = arith.constant 0 : index
    tpu.barrier barrier_id(%barrier3A_114)
    %add3A_115 = arith.constant 0 : i32
    %add3A_116 = arith.addi %mul3A_0, %add3A_115 : i32
    %add3A_117 = arith.constant 0 : i32
    %add3A_118 = arith.addi %mul3A_0, %add3A_117 : i32
    "tpu.region"() ({
      %run_scoped3A = tpu.sem_alloc : memref<!tpu.dma_semaphore, #tpu.memory_space<semaphore_mem>>
      %dma_start3A_155 = arith.constant 0 : i32
      %dma_start3A_156 = tpu.memref_slice %arg8[%arg0, %add3A_118, %dma_start3A_155] : memref<2x10240x128xf32, #tpu.memory_space<hbm>> -> memref<1x64x128xf32, #tpu.memory_space<hbm>>
      %dma_start3A_157 = tpu.memref_squeeze %dma_start3A_156 : memref<1x64x128xf32, #tpu.memory_space<hbm>> -> memref<64x128xf32, #tpu.memory_space<hbm>>
      %dma_start3A_158 = arith.constant 0 : i32
      %dma_start3A_159 = tpu.memref_slice %arg9[%add3A_116, %dma_start3A_158] : memref<10240x128xf32, #tpu.memory_space<vmem_shared>> -> memref<64x128xf32, #tpu.memory_space<vmem_shared>>
      tpu.enqueue_dma source(%dma_start3A_159 : memref<64x128xf32, #tpu.memory_space<vmem_shared>>) target(%dma_start3A_157 : memref<64x128xf32, #tpu.memory_space<hbm>>) target_semaphore(%run_scoped3A : memref<!tpu.dma_semaphore, #tpu.memory_space<semaphore_mem>>)
      %dma_wait3A_160 = arith.constant 0 : i32
      %dma_wait3A_161 = tpu.memref_slice %arg8[%arg0, %add3A_118, %dma_wait3A_160] : memref<2x10240x128xf32, #tpu.memory_space<hbm>> -> memref<1x64x128xf32, #tpu.memory_space<hbm>>
      %dma_wait3A_162 = tpu.memref_squeeze %dma_wait3A_161 : memref<1x64x128xf32, #tpu.memory_space<hbm>> -> memref<64x128xf32, #tpu.memory_space<hbm>>
      %dma_wait3A_163 = arith.constant 0 : i32
      %dma_wait3A_164 = tpu.memref_slice %arg9[%add3A_116, %dma_wait3A_163] : memref<10240x128xf32, #tpu.memory_space<vmem_shared>> -> memref<64x128xf32, #tpu.memory_space<vmem_shared>>
      tpu.wait_dma2 semaphore(%run_scoped3A : memref<!tpu.dma_semaphore, #tpu.memory_space<semaphore_mem>>) src(%dma_wait3A_164 : memref<64x128xf32, #tpu.memory_space<vmem_shared>>) dst(%dma_wait3A_162 : memref<64x128xf32, #tpu.memory_space<hbm>>)
      tpu.yield
    }) : () -> ()
    %add3A_119 = arith.constant 64 : i32
    %add3A_120 = arith.addi %mul3A_0, %add3A_119 : i32
    %add3A_121 = arith.constant 64 : i32
    %add3A_122 = arith.addi %mul3A_0, %add3A_121 : i32
    "tpu.region"() ({
      %run_scoped3A = tpu.sem_alloc : memref<!tpu.dma_semaphore, #tpu.memory_space<semaphore_mem>>
      %dma_start3A_155 = arith.constant 0 : i32
      %dma_start3A_156 = tpu.memref_slice %arg8[%arg0, %add3A_122, %dma_start3A_155] : memref<2x10240x128xf32, #tpu.memory_space<hbm>> -> memref<1x64x128xf32, #tpu.memory_space<hbm>>
      %dma_start3A_157 = tpu.memref_squeeze %dma_start3A_156 : memref<1x64x128xf32, #tpu.memory_space<hbm>> -> memref<64x128xf32, #tpu.memory_space<hbm>>
      %dma_start3A_158 = arith.constant 0 : i32
      %dma_start3A_159 = tpu.memref_slice %arg9[%add3A_120, %dma_start3A_158] : memref<10240x128xf32, #tpu.memory_space<vmem_shared>> -> memref<64x128xf32, #tpu.memory_space<vmem_shared>>
      tpu.enqueue_dma source(%dma_start3A_159 : memref<64x128xf32, #tpu.memory_space<vmem_shared>>) target(%dma_start3A_157 : memref<64x128xf32, #tpu.memory_space<hbm>>) target_semaphore(%run_scoped3A : memref<!tpu.dma_semaphore, #tpu.memory_space<semaphore_mem>>)
      %dma_wait3A_160 = arith.constant 0 : i32
      %dma_wait3A_161 = tpu.memref_slice %arg8[%arg0, %add3A_122, %dma_wait3A_160] : memref<2x10240x128xf32, #tpu.memory_space<hbm>> -> memref<1x64x128xf32, #tpu.memory_space<hbm>>
      %dma_wait3A_162 = tpu.memref_squeeze %dma_wait3A_161 : memref<1x64x128xf32, #tpu.memory_space<hbm>> -> memref<64x128xf32, #tpu.memory_space<hbm>>
      %dma_wait3A_163 = arith.constant 0 : i32
      %dma_wait3A_164 = tpu.memref_slice %arg9[%add3A_120, %dma_wait3A_163] : memref<10240x128xf32, #tpu.memory_space<vmem_shared>> -> memref<64x128xf32, #tpu.memory_space<vmem_shared>>
      tpu.wait_dma2 semaphore(%run_scoped3A : memref<!tpu.dma_semaphore, #tpu.memory_space<semaphore_mem>>) src(%dma_wait3A_164 : memref<64x128xf32, #tpu.memory_space<vmem_shared>>) dst(%dma_wait3A_162 : memref<64x128xf32, #tpu.memory_space<hbm>>)
      tpu.yield
    }) : () -> ()
    %add3A_123 = arith.constant 128 : i32
    %add3A_124 = arith.addi %mul3A_0, %add3A_123 : i32
    %add3A_125 = arith.constant 128 : i32
    %add3A_126 = arith.addi %mul3A_0, %add3A_125 : i32
    "tpu.region"() ({
      %run_scoped3A = tpu.sem_alloc : memref<!tpu.dma_semaphore, #tpu.memory_space<semaphore_mem>>
      %dma_start3A_155 = arith.constant 0 : i32
      %dma_start3A_156 = tpu.memref_slice %arg8[%arg0, %add3A_126, %dma_start3A_155] : memref<2x10240x128xf32, #tpu.memory_space<hbm>> -> memref<1x64x128xf32, #tpu.memory_space<hbm>>
      %dma_start3A_157 = tpu.memref_squeeze %dma_start3A_156 : memref<1x64x128xf32, #tpu.memory_space<hbm>> -> memref<64x128xf32, #tpu.memory_space<hbm>>
      %dma_start3A_158 = arith.constant 0 : i32
      %dma_start3A_159 = tpu.memref_slice %arg9[%add3A_124, %dma_start3A_158] : memref<10240x128xf32, #tpu.memory_space<vmem_shared>> -> memref<64x128xf32, #tpu.memory_space<vmem_shared>>
      tpu.enqueue_dma source(%dma_start3A_159 : memref<64x128xf32, #tpu.memory_space<vmem_shared>>) target(%dma_start3A_157 : memref<64x128xf32, #tpu.memory_space<hbm>>) target_semaphore(%run_scoped3A : memref<!tpu.dma_semaphore, #tpu.memory_space<semaphore_mem>>)
      %dma_wait3A_160 = arith.constant 0 : i32
      %dma_wait3A_161 = tpu.memref_slice %arg8[%arg0, %add3A_126, %dma_wait3A_160] : memref<2x10240x128xf32, #tpu.memory_space<hbm>> -> memref<1x64x128xf32, #tpu.memory_space<hbm>>
      %dma_wait3A_162 = tpu.memref_squeeze %dma_wait3A_161 : memref<1x64x128xf32, #tpu.memory_space<hbm>> -> memref<64x128xf32, #tpu.memory_space<hbm>>
      %dma_wait3A_163 = arith.constant 0 : i32
      %dma_wait3A_164 = tpu.memref_slice %arg9[%add3A_124, %dma_wait3A_163] : memref<10240x128xf32, #tpu.memory_space<vmem_shared>> -> memref<64x128xf32, #tpu.memory_space<vmem_shared>>
      tpu.wait_dma2 semaphore(%run_scoped3A : memref<!tpu.dma_semaphore, #tpu.memory_space<semaphore_mem>>) src(%dma_wait3A_164 : memref<64x128xf32, #tpu.memory_space<vmem_shared>>) dst(%dma_wait3A_162 : memref<64x128xf32, #tpu.memory_space<hbm>>)
      tpu.yield
    }) : () -> ()
    %add3A_127 = arith.constant 192 : i32
    %add3A_128 = arith.addi %mul3A_0, %add3A_127 : i32
    %add3A_129 = arith.constant 192 : i32
    %add3A_130 = arith.addi %mul3A_0, %add3A_129 : i32
    "tpu.region"() ({
      %run_scoped3A = tpu.sem_alloc : memref<!tpu.dma_semaphore, #tpu.memory_space<semaphore_mem>>
      %dma_start3A_155 = arith.constant 0 : i32
      %dma_start3A_156 = tpu.memref_slice %arg8[%arg0, %add3A_130, %dma_start3A_155] : memref<2x10240x128xf32, #tpu.memory_space<hbm>> -> memref<1x64x128xf32, #tpu.memory_space<hbm>>
      %dma_start3A_157 = tpu.memref_squeeze %dma_start3A_156 : memref<1x64x128xf32, #tpu.memory_space<hbm>> -> memref<64x128xf32, #tpu.memory_space<hbm>>
      %dma_start3A_158 = arith.constant 0 : i32
      %dma_start3A_159 = tpu.memref_slice %arg9[%add3A_128, %dma_start3A_158] : memref<10240x128xf32, #tpu.memory_space<vmem_shared>> -> memref<64x128xf32, #tpu.memory_space<vmem_shared>>
      tpu.enqueue_dma source(%dma_start3A_159 : memref<64x128xf32, #tpu.memory_space<vmem_shared>>) target(%dma_start3A_157 : memref<64x128xf32, #tpu.memory_space<hbm>>) target_semaphore(%run_scoped3A : memref<!tpu.dma_semaphore, #tpu.memory_space<semaphore_mem>>)
      %dma_wait3A_160 = arith.constant 0 : i32
      %dma_wait3A_161 = tpu.memref_slice %arg8[%arg0, %add3A_130, %dma_wait3A_160] : memref<2x10240x128xf32, #tpu.memory_space<hbm>> -> memref<1x64x128xf32, #tpu.memory_space<hbm>>
      %dma_wait3A_162 = tpu.memref_squeeze %dma_wait3A_161 : memref<1x64x128xf32, #tpu.memory_space<hbm>> -> memref<64x128xf32, #tpu.memory_space<hbm>>
      %dma_wait3A_163 = arith.constant 0 : i32
      %dma_wait3A_164 = tpu.memref_slice %arg9[%add3A_128, %dma_wait3A_163] : memref<10240x128xf32, #tpu.memory_space<vmem_shared>> -> memref<64x128xf32, #tpu.memory_space<vmem_shared>>
      tpu.wait_dma2 semaphore(%run_scoped3A : memref<!tpu.dma_semaphore, #tpu.memory_space<semaphore_mem>>) src(%dma_wait3A_164 : memref<64x128xf32, #tpu.memory_space<vmem_shared>>) dst(%dma_wait3A_162 : memref<64x128xf32, #tpu.memory_space<hbm>>)
      tpu.yield
    }) : () -> ()
    %add3A_131 = arith.constant 256 : i32
    %add3A_132 = arith.addi %mul3A_0, %add3A_131 : i32
    %add3A_133 = arith.constant 256 : i32
    %add3A_134 = arith.addi %mul3A_0, %add3A_133 : i32
    "tpu.region"() ({
      %run_scoped3A = tpu.sem_alloc : memref<!tpu.dma_semaphore, #tpu.memory_space<semaphore_mem>>
      %dma_start3A_155 = arith.constant 0 : i32
      %dma_start3A_156 = tpu.memref_slice %arg8[%arg0, %add3A_134, %dma_start3A_155] : memref<2x10240x128xf32, #tpu.memory_space<hbm>> -> memref<1x64x128xf32, #tpu.memory_space<hbm>>
      %dma_start3A_157 = tpu.memref_squeeze %dma_start3A_156 : memref<1x64x128xf32, #tpu.memory_space<hbm>> -> memref<64x128xf32, #tpu.memory_space<hbm>>
      %dma_start3A_158 = arith.constant 0 : i32
      %dma_start3A_159 = tpu.memref_slice %arg9[%add3A_132, %dma_start3A_158] : memref<10240x128xf32, #tpu.memory_space<vmem_shared>> -> memref<64x128xf32, #tpu.memory_space<vmem_shared>>
      tpu.enqueue_dma source(%dma_start3A_159 : memref<64x128xf32, #tpu.memory_space<vmem_shared>>) target(%dma_start3A_157 : memref<64x128xf32, #tpu.memory_space<hbm>>) target_semaphore(%run_scoped3A : memref<!tpu.dma_semaphore, #tpu.memory_space<semaphore_mem>>)
      %dma_wait3A_160 = arith.constant 0 : i32
      %dma_wait3A_161 = tpu.memref_slice %arg8[%arg0, %add3A_134, %dma_wait3A_160] : memref<2x10240x128xf32, #tpu.memory_space<hbm>> -> memref<1x64x128xf32, #tpu.memory_space<hbm>>
      %dma_wait3A_162 = tpu.memref_squeeze %dma_wait3A_161 : memref<1x64x128xf32, #tpu.memory_space<hbm>> -> memref<64x128xf32, #tpu.memory_space<hbm>>
      %dma_wait3A_163 = arith.constant 0 : i32
      %dma_wait3A_164 = tpu.memref_slice %arg9[%add3A_132, %dma_wait3A_163] : memref<10240x128xf32, #tpu.memory_space<vmem_shared>> -> memref<64x128xf32, #tpu.memory_space<vmem_shared>>
      tpu.wait_dma2 semaphore(%run_scoped3A : memref<!tpu.dma_semaphore, #tpu.memory_space<semaphore_mem>>) src(%dma_wait3A_164 : memref<64x128xf32, #tpu.memory_space<vmem_shared>>) dst(%dma_wait3A_162 : memref<64x128xf32, #tpu.memory_space<hbm>>)
      tpu.yield
    }) : () -> ()
    %add3A_135 = arith.constant 320 : i32
    %add3A_136 = arith.addi %mul3A_0, %add3A_135 : i32
    %add3A_137 = arith.constant 320 : i32
    %add3A_138 = arith.addi %mul3A_0, %add3A_137 : i32
    "tpu.region"() ({
      %run_scoped3A = tpu.sem_alloc : memref<!tpu.dma_semaphore, #tpu.memory_space<semaphore_mem>>
      %dma_start3A_155 = arith.constant 0 : i32
      %dma_start3A_156 = tpu.memref_slice %arg8[%arg0, %add3A_138, %dma_start3A_155] : memref<2x10240x128xf32, #tpu.memory_space<hbm>> -> memref<1x64x128xf32, #tpu.memory_space<hbm>>
      %dma_start3A_157 = tpu.memref_squeeze %dma_start3A_156 : memref<1x64x128xf32, #tpu.memory_space<hbm>> -> memref<64x128xf32, #tpu.memory_space<hbm>>
      %dma_start3A_158 = arith.constant 0 : i32
      %dma_start3A_159 = tpu.memref_slice %arg9[%add3A_136, %dma_start3A_158] : memref<10240x128xf32, #tpu.memory_space<vmem_shared>> -> memref<64x128xf32, #tpu.memory_space<vmem_shared>>
      tpu.enqueue_dma source(%dma_start3A_159 : memref<64x128xf32, #tpu.memory_space<vmem_shared>>) target(%dma_start3A_157 : memref<64x128xf32, #tpu.memory_space<hbm>>) target_semaphore(%run_scoped3A : memref<!tpu.dma_semaphore, #tpu.memory_space<semaphore_mem>>)
      %dma_wait3A_160 = arith.constant 0 : i32
      %dma_wait3A_161 = tpu.memref_slice %arg8[%arg0, %add3A_138, %dma_wait3A_160] : memref<2x10240x128xf32, #tpu.memory_space<hbm>> -> memref<1x64x128xf32, #tpu.memory_space<hbm>>
      %dma_wait3A_162 = tpu.memref_squeeze %dma_wait3A_161 : memref<1x64x128xf32, #tpu.memory_space<hbm>> -> memref<64x128xf32, #tpu.memory_space<hbm>>
      %dma_wait3A_163 = arith.constant 0 : i32
      %dma_wait3A_164 = tpu.memref_slice %arg9[%add3A_136, %dma_wait3A_163] : memref<10240x128xf32, #tpu.memory_space<vmem_shared>> -> memref<64x128xf32, #tpu.memory_space<vmem_shared>>
      tpu.wait_dma2 semaphore(%run_scoped3A : memref<!tpu.dma_semaphore, #tpu.memory_space<semaphore_mem>>) src(%dma_wait3A_164 : memref<64x128xf32, #tpu.memory_space<vmem_shared>>) dst(%dma_wait3A_162 : memref<64x128xf32, #tpu.memory_space<hbm>>)
      tpu.yield
    }) : () -> ()
    %add3A_139 = arith.constant 384 : i32
    %add3A_140 = arith.addi %mul3A_0, %add3A_139 : i32
    %add3A_141 = arith.constant 384 : i32
    %add3A_142 = arith.addi %mul3A_0, %add3A_141 : i32
    "tpu.region"() ({
      %run_scoped3A = tpu.sem_alloc : memref<!tpu.dma_semaphore, #tpu.memory_space<semaphore_mem>>
      %dma_start3A_155 = arith.constant 0 : i32
      %dma_start3A_156 = tpu.memref_slice %arg8[%arg0, %add3A_142, %dma_start3A_155] : memref<2x10240x128xf32, #tpu.memory_space<hbm>> -> memref<1x64x128xf32, #tpu.memory_space<hbm>>
      %dma_start3A_157 = tpu.memref_squeeze %dma_start3A_156 : memref<1x64x128xf32, #tpu.memory_space<hbm>> -> memref<64x128xf32, #tpu.memory_space<hbm>>
      %dma_start3A_158 = arith.constant 0 : i32
      %dma_start3A_159 = tpu.memref_slice %arg9[%add3A_140, %dma_start3A_158] : memref<10240x128xf32, #tpu.memory_space<vmem_shared>> -> memref<64x128xf32, #tpu.memory_space<vmem_shared>>
      tpu.enqueue_dma source(%dma_start3A_159 : memref<64x128xf32, #tpu.memory_space<vmem_shared>>) target(%dma_start3A_157 : memref<64x128xf32, #tpu.memory_space<hbm>>) target_semaphore(%run_scoped3A : memref<!tpu.dma_semaphore, #tpu.memory_space<semaphore_mem>>)
      %dma_wait3A_160 = arith.constant 0 : i32
      %dma_wait3A_161 = tpu.memref_slice %arg8[%arg0, %add3A_142, %dma_wait3A_160] : memref<2x10240x128xf32, #tpu.memory_space<hbm>> -> memref<1x64x128xf32, #tpu.memory_space<hbm>>
      %dma_wait3A_162 = tpu.memref_squeeze %dma_wait3A_161 : memref<1x64x128xf32, #tpu.memory_space<hbm>> -> memref<64x128xf32, #tpu.memory_space<hbm>>
      %dma_wait3A_163 = arith.constant 0 : i32
      %dma_wait3A_164 = tpu.memref_slice %arg9[%add3A_140, %dma_wait3A_163] : memref<10240x128xf32, #tpu.memory_space<vmem_shared>> -> memref<64x128xf32, #tpu.memory_space<vmem_shared>>
      tpu.wait_dma2 semaphore(%run_scoped3A : memref<!tpu.dma_semaphore, #tpu.memory_space<semaphore_mem>>) src(%dma_wait3A_164 : memref<64x128xf32, #tpu.memory_space<vmem_shared>>) dst(%dma_wait3A_162 : memref<64x128xf32, #tpu.memory_space<hbm>>)
      tpu.yield
    }) : () -> ()
    %add3A_143 = arith.constant 448 : i32
    %add3A_144 = arith.addi %mul3A_0, %add3A_143 : i32
    %add3A_145 = arith.constant 448 : i32
    %add3A_146 = arith.addi %mul3A_0, %add3A_145 : i32
    "tpu.region"() ({
      %run_scoped3A = tpu.sem_alloc : memref<!tpu.dma_semaphore, #tpu.memory_space<semaphore_mem>>
      %dma_start3A_155 = arith.constant 0 : i32
      %dma_start3A_156 = tpu.memref_slice %arg8[%arg0, %add3A_146, %dma_start3A_155] : memref<2x10240x128xf32, #tpu.memory_space<hbm>> -> memref<1x64x128xf32, #tpu.memory_space<hbm>>
      %dma_start3A_157 = tpu.memref_squeeze %dma_start3A_156 : memref<1x64x128xf32, #tpu.memory_space<hbm>> -> memref<64x128xf32, #tpu.memory_space<hbm>>
      %dma_start3A_158 = arith.constant 0 : i32
      %dma_start3A_159 = tpu.memref_slice %arg9[%add3A_144, %dma_start3A_158] : memref<10240x128xf32, #tpu.memory_space<vmem_shared>> -> memref<64x128xf32, #tpu.memory_space<vmem_shared>>
      tpu.enqueue_dma source(%dma_start3A_159 : memref<64x128xf32, #tpu.memory_space<vmem_shared>>) target(%dma_start3A_157 : memref<64x128xf32, #tpu.memory_space<hbm>>) target_semaphore(%run_scoped3A : memref<!tpu.dma_semaphore, #tpu.memory_space<semaphore_mem>>)
      %dma_wait3A_160 = arith.constant 0 : i32
      %dma_wait3A_161 = tpu.memref_slice %arg8[%arg0, %add3A_146, %dma_wait3A_160] : memref<2x10240x128xf32, #tpu.memory_space<hbm>> -> memref<1x64x128xf32, #tpu.memory_space<hbm>>
      %dma_wait3A_162 = tpu.memref_squeeze %dma_wait3A_161 : memref<1x64x128xf32, #tpu.memory_space<hbm>> -> memref<64x128xf32, #tpu.memory_space<hbm>>
      %dma_wait3A_163 = arith.constant 0 : i32
      %dma_wait3A_164 = tpu.memref_slice %arg9[%add3A_144, %dma_wait3A_163] : memref<10240x128xf32, #tpu.memory_space<vmem_shared>> -> memref<64x128xf32, #tpu.memory_space<vmem_shared>>
      tpu.wait_dma2 semaphore(%run_scoped3A : memref<!tpu.dma_semaphore, #tpu.memory_space<semaphore_mem>>) src(%dma_wait3A_164 : memref<64x128xf32, #tpu.memory_space<vmem_shared>>) dst(%dma_wait3A_162 : memref<64x128xf32, #tpu.memory_space<hbm>>)
      tpu.yield
    }) : () -> ()
    %add3A_147 = arith.constant 512 : i32
    %add3A_148 = arith.addi %mul3A_0, %add3A_147 : i32
    %add3A_149 = arith.constant 512 : i32
    %add3A_150 = arith.addi %mul3A_0, %add3A_149 : i32
    "tpu.region"() ({
      %run_scoped3A = tpu.sem_alloc : memref<!tpu.dma_semaphore, #tpu.memory_space<semaphore_mem>>
      %dma_start3A_155 = arith.constant 0 : i32
      %dma_start3A_156 = tpu.memref_slice %arg8[%arg0, %add3A_150, %dma_start3A_155] : memref<2x10240x128xf32, #tpu.memory_space<hbm>> -> memref<1x64x128xf32, #tpu.memory_space<hbm>>
      %dma_start3A_157 = tpu.memref_squeeze %dma_start3A_156 : memref<1x64x128xf32, #tpu.memory_space<hbm>> -> memref<64x128xf32, #tpu.memory_space<hbm>>
      %dma_start3A_158 = arith.constant 0 : i32
      %dma_start3A_159 = tpu.memref_slice %arg9[%add3A_148, %dma_start3A_158] : memref<10240x128xf32, #tpu.memory_space<vmem_shared>> -> memref<64x128xf32, #tpu.memory_space<vmem_shared>>
      tpu.enqueue_dma source(%dma_start3A_159 : memref<64x128xf32, #tpu.memory_space<vmem_shared>>) target(%dma_start3A_157 : memref<64x128xf32, #tpu.memory_space<hbm>>) target_semaphore(%run_scoped3A : memref<!tpu.dma_semaphore, #tpu.memory_space<semaphore_mem>>)
      %dma_wait3A_160 = arith.constant 0 : i32
      %dma_wait3A_161 = tpu.memref_slice %arg8[%arg0, %add3A_150, %dma_wait3A_160] : memref<2x10240x128xf32, #tpu.memory_space<hbm>> -> memref<1x64x128xf32, #tpu.memory_space<hbm>>
      %dma_wait3A_162 = tpu.memref_squeeze %dma_wait3A_161 : memref<1x64x128xf32, #tpu.memory_space<hbm>> -> memref<64x128xf32, #tpu.memory_space<hbm>>
      %dma_wait3A_163 = arith.constant 0 : i32
      %dma_wait3A_164 = tpu.memref_slice %arg9[%add3A_148, %dma_wait3A_163] : memref<10240x128xf32, #tpu.memory_space<vmem_shared>> -> memref<64x128xf32, #tpu.memory_space<vmem_shared>>
      tpu.wait_dma2 semaphore(%run_scoped3A : memref<!tpu.dma_semaphore, #tpu.memory_space<semaphore_mem>>) src(%dma_wait3A_164 : memref<64x128xf32, #tpu.memory_space<vmem_shared>>) dst(%dma_wait3A_162 : memref<64x128xf32, #tpu.memory_space<hbm>>)
      tpu.yield
    }) : () -> ()
    %add3A_151 = arith.constant 576 : i32
    %add3A_152 = arith.addi %mul3A_0, %add3A_151 : i32
    %add3A_153 = arith.constant 576 : i32
    %add3A_154 = arith.addi %mul3A_0, %add3A_153 : i32
    "tpu.region"() ({
      %run_scoped3A = tpu.sem_alloc : memref<!tpu.dma_semaphore, #tpu.memory_space<semaphore_mem>>
      %dma_start3A_155 = arith.constant 0 : i32
      %dma_start3A_156 = tpu.memref_slice %arg8[%arg0, %add3A_154, %dma_start3A_155] : memref<2x10240x128xf32, #tpu.memory_space<hbm>> -> memref<1x64x128xf32, #tpu.memory_space<hbm>>
      %dma_start3A_157 = tpu.memref_squeeze %dma_start3A_156 : memref<1x64x128xf32, #tpu.memory_space<hbm>> -> memref<64x128xf32, #tpu.memory_space<hbm>>
      %dma_start3A_158 = arith.constant 0 : i32
      %dma_start3A_159 = tpu.memref_slice %arg9[%add3A_152, %dma_start3A_158] : memref<10240x128xf32, #tpu.memory_space<vmem_shared>> -> memref<64x128xf32, #tpu.memory_space<vmem_shared>>
      tpu.enqueue_dma source(%dma_start3A_159 : memref<64x128xf32, #tpu.memory_space<vmem_shared>>) target(%dma_start3A_157 : memref<64x128xf32, #tpu.memory_space<hbm>>) target_semaphore(%run_scoped3A : memref<!tpu.dma_semaphore, #tpu.memory_space<semaphore_mem>>)
      %dma_wait3A_160 = arith.constant 0 : i32
      %dma_wait3A_161 = tpu.memref_slice %arg8[%arg0, %add3A_154, %dma_wait3A_160] : memref<2x10240x128xf32, #tpu.memory_space<hbm>> -> memref<1x64x128xf32, #tpu.memory_space<hbm>>
      %dma_wait3A_162 = tpu.memref_squeeze %dma_wait3A_161 : memref<1x64x128xf32, #tpu.memory_space<hbm>> -> memref<64x128xf32, #tpu.memory_space<hbm>>
      %dma_wait3A_163 = arith.constant 0 : i32
      %dma_wait3A_164 = tpu.memref_slice %arg9[%add3A_152, %dma_wait3A_163] : memref<10240x128xf32, #tpu.memory_space<vmem_shared>> -> memref<64x128xf32, #tpu.memory_space<vmem_shared>>
      tpu.wait_dma2 semaphore(%run_scoped3A : memref<!tpu.dma_semaphore, #tpu.memory_space<semaphore_mem>>) src(%dma_wait3A_164 : memref<64x128xf32, #tpu.memory_space<vmem_shared>>) dst(%dma_wait3A_162 : memref<64x128xf32, #tpu.memory_space<hbm>>)
      tpu.yield
    }) : () -> ()
    return
  }
}

module attributes {stable_mosaic.version = 14 : i64} {
  func.func @tc_gnn_pool_head(%arg0: i32, %arg1: memref<2x1024x128xf32, #tpu.memory_space<vmem>>, %arg2: memref<1024x128xf32, #tpu.memory_space<vmem>>, %arg3: memref<1024x128xi32, #tpu.memory_space<vmem>>, %arg4: memref<256x256xf32, #tpu.memory_space<vmem>>, %arg5: memref<256x128xf32, #tpu.memory_space<vmem>>, %arg6: memref<8x128xf32, #tpu.memory_space<vmem>>, %arg7: memref<1024x256xf32, #tpu.memory_space<vmem>>, %arg8: memref<64x256xf32, #tpu.memory_space<vmem>>, %arg9: memref<64x128xf32, #tpu.memory_space<vmem>>, %arg10: memref<128x256xf32, #tpu.memory_space<vmem>>, %arg11: memref<128x256xf32, #tpu.memory_space<vmem>>) attributes {dimension_semantics = [#tpu.dimension_semantics<arbitrary>], iteration_bounds = array<i64: 10>, scalar_prefetch = 0 : i64, scratch_operands = 2 : i64, tpu.core_type = #tpu.core_type<tc>, window_params = [{transform_indices = @transform_0, window_bounds = array<i64: 2, 1024, 128>}, {transform_indices = @transform_1, window_bounds = array<i64: 1024, 128>}, {transform_indices = @transform_2, window_bounds = array<i64: 1024, 128>}, {pipeline_mode = #tpu.pipeline_mode<synchronous>, transform_indices = @transform_3, window_bounds = array<i64: 256, 256>}, {pipeline_mode = #tpu.pipeline_mode<synchronous>, transform_indices = @transform_4, window_bounds = array<i64: 256, 128>}, {pipeline_mode = #tpu.pipeline_mode<synchronous>, transform_indices = @transform_5, window_bounds = array<i64: 8, 128>}, {transform_indices = @transform_6, window_bounds = array<i64: 1024, 256>}, {pipeline_mode = #tpu.pipeline_mode<synchronous>, transform_indices = @transform_7, window_bounds = array<i64: 64, 256>}, {pipeline_mode = #tpu.pipeline_mode<synchronous>, transform_indices = @transform_8, window_bounds = array<i64: 64, 128>}]} {
    %get3A = arith.constant 0 : index
    %get3A_0 = arith.constant 0 : index
    %get3A_1 = vector.load %arg2[%get3A, %get3A_0] : memref<1024x128xf32, #tpu.memory_space<vmem>>, vector<1024x128xf32>
    %get3A_2 = arith.constant 0 : index
    %get3A_3 = arith.constant 0 : index
    %get3A_4 = arith.constant 0 : index
    %get3A_5 = vector.load %arg1[%get3A_2, %get3A_3, %get3A_4] : memref<2x1024x128xf32, #tpu.memory_space<vmem>>, vector<1x1024x128xf32>
    %get3A_6 = vector.shape_cast %get3A_5 : vector<1x1024x128xf32> to vector<1024x128xf32>
    %div3A = arith.divf %get3A_6, %get3A_1 : vector<1024x128xf32>
    %get3A_7 = arith.constant 1 : index
    %get3A_8 = arith.constant 0 : index
    %get3A_9 = arith.constant 0 : index
    %get3A_10 = vector.load %arg1[%get3A_7, %get3A_8, %get3A_9] : memref<2x1024x128xf32, #tpu.memory_space<vmem>>, vector<1x1024x128xf32>
    %get3A_11 = vector.shape_cast %get3A_10 : vector<1x1024x128xf32> to vector<1024x128xf32>
    %div3A_12 = arith.divf %get3A_11, %get3A_1 : vector<1024x128xf32>
    %concatenate3A = tpu.concatenate %div3A, %div3A_12 in 1 : vector<1024x128xf32>, vector<1024x128xf32> -> vector<1024x256xf32>
    %get3A_13 = arith.constant 0 : index
    %get3A_14 = arith.constant 0 : index
    %get3A_15 = vector.load %arg4[%get3A_13, %get3A_14] : memref<256x256xf32, #tpu.memory_space<vmem>>, vector<256x256xf32>
    %dot_general3A = arith.constant dense<0.000000e+00> : vector<1024x256xf32>
    %dot_general3A_16 = tpu.matmul %concatenate3A, %get3A_15, %dot_general3A {dimension_numbers = #tpu.dot_dimension_numbers<[1], [0], [0], [1], [0, 0, 1, 1], [], []>, transpose_lhs_hint = false} : vector<1024x256xf32>, vector<256x256xf32>, vector<1024x256xf32> -> vector<1024x256xf32>
    %max3A = arith.constant 0.000000e+00 : f32
    %max3A_17 = vector.broadcast %max3A : f32 to vector<1024x256xf32>
    %max3A_18 = arith.maximumf %dot_general3A_16, %max3A_17 : vector<1024x256xf32>
    %swap3A = arith.constant 0 : index
    %swap3A_19 = arith.constant 0 : index
    %swap3A_20 = vector.load %arg7[%swap3A, %swap3A_19] : memref<1024x256xf32, #tpu.memory_space<vmem>>, vector<1024x256xf32>
    tpu.vector_store %arg7[%swap3A, %swap3A_19], %max3A_18 {strides = array<i32>} : memref<1024x256xf32, #tpu.memory_space<vmem>>, vector<1024x256xf32>,
    %get3A_21 = arith.constant 0 : index
    %get3A_22 = arith.constant 0 : index
    %get3A_23 = vector.load %arg3[%get3A_21, %get3A_22] : memref<1024x128xi32, #tpu.memory_space<vmem>>, vector<1024x128xi32>
    %iota3A = tpu.iota {dimensions = array<i32: 1>} : vector<1024x128xi32>
    %eq3A = arith.cmpi eq, %get3A_23, %iota3A : vector<1024x128xi32>
    %convert_element_type3A = arith.extui %eq3A : vector<1024x128xi1> to vector<1024x128xi32>
    %convert_element_type3A_24 = arith.sitofp %convert_element_type3A : vector<1024x128xi32> to vector<1024x128xf32>
    %dot_general3A_25 = arith.constant dense<0.000000e+00> : vector<128x256xf32>
    %dot_general3A_26 = tpu.matmul %convert_element_type3A_24, %max3A_18, %dot_general3A_25 {dimension_numbers = #tpu.dot_dimension_numbers<[0], [0], [1], [1], [0, 1, 1, 1], [], []>, transpose_lhs_hint = false} : vector<1024x128xf32>, vector<1024x256xf32>, vector<128x256xf32> -> vector<128x256xf32>
    %broadcast_in_dim3A = arith.constant 1.000000e+00 : f32
    %broadcast_in_dim3A_27 = vector.broadcast %broadcast_in_dim3A : f32 to vector<1024x256xf32>
    %dot_general3A_28 = arith.constant dense<0.000000e+00> : vector<128x256xf32>
    %dot_general3A_29 = tpu.matmul %convert_element_type3A_24, %broadcast_in_dim3A_27, %dot_general3A_28 {dimension_numbers = #tpu.dot_dimension_numbers<[0], [0], [1], [1], [0, 1, 1, 1], [], []>, transpose_lhs_hint = false} : vector<1024x128xf32>, vector<1024x256xf32>, vector<128x256xf32> -> vector<128x256xf32>
    %eq3A_30 = arith.constant 0 : i32
    %eq3A_31 = arith.cmpi eq, %arg0, %eq3A_30 : i32
    %convert_element_type3A_32 = arith.extui %eq3A_31 : i1 to i32
    %cond3A = arith.constant 0 : i32
    %cond3A_33 = arith.cmpi ne, %convert_element_type3A_32, %cond3A : i32
    scf.if %cond3A_33 {
      %broadcast_in_dim3A_52 = arith.constant 0.000000e+00 : f32
      %broadcast_in_dim3A_53 = vector.broadcast %broadcast_in_dim3A_52 : f32 to vector<128x256xf32>
      %swap3A_54 = arith.constant 0 : index
      %swap3A_55 = arith.constant 0 : index
      %swap3A_56 = vector.load %arg10[%swap3A_54, %swap3A_55] : memref<128x256xf32, #tpu.memory_space<vmem>>, vector<128x256xf32>
      tpu.vector_store %arg10[%swap3A_54, %swap3A_55], %broadcast_in_dim3A_53 {strides = array<i32>} : memref<128x256xf32, #tpu.memory_space<vmem>>, vector<128x256xf32>,
      %broadcast_in_dim3A_57 = arith.constant 0.000000e+00 : f32
      %broadcast_in_dim3A_58 = vector.broadcast %broadcast_in_dim3A_57 : f32 to vector<128x256xf32>
      %swap3A_59 = arith.constant 0 : index
      %swap3A_60 = arith.constant 0 : index
      %swap3A_61 = vector.load %arg11[%swap3A_59, %swap3A_60] : memref<128x256xf32, #tpu.memory_space<vmem>>, vector<128x256xf32>
      tpu.vector_store %arg11[%swap3A_59, %swap3A_60], %broadcast_in_dim3A_58 {strides = array<i32>} : memref<128x256xf32, #tpu.memory_space<vmem>>, vector<128x256xf32>,
    } else {
    }
    %get3A_34 = arith.constant 0 : index
    %get3A_35 = arith.constant 0 : index
    %get3A_36 = vector.load %arg10[%get3A_34, %get3A_35] : memref<128x256xf32, #tpu.memory_space<vmem>>, vector<128x256xf32>
    %add3A = arith.addf %get3A_36, %dot_general3A_26 : vector<128x256xf32>
    %swap3A_37 = arith.constant 0 : index
    %swap3A_38 = arith.constant 0 : index
    %swap3A_39 = vector.load %arg10[%swap3A_37, %swap3A_38] : memref<128x256xf32, #tpu.memory_space<vmem>>, vector<128x256xf32>
    tpu.vector_store %arg10[%swap3A_37, %swap3A_38], %add3A {strides = array<i32>} : memref<128x256xf32, #tpu.memory_space<vmem>>, vector<128x256xf32>,
    %get3A_40 = arith.constant 0 : index
    %get3A_41 = arith.constant 0 : index
    %get3A_42 = vector.load %arg11[%get3A_40, %get3A_41] : memref<128x256xf32, #tpu.memory_space<vmem>>, vector<128x256xf32>
    %add3A_43 = arith.addf %get3A_42, %dot_general3A_29 : vector<128x256xf32>
    %swap3A_44 = arith.constant 0 : index
    %swap3A_45 = arith.constant 0 : index
    %swap3A_46 = vector.load %arg11[%swap3A_44, %swap3A_45] : memref<128x256xf32, #tpu.memory_space<vmem>>, vector<128x256xf32>
    tpu.vector_store %arg11[%swap3A_44, %swap3A_45], %add3A_43 {strides = array<i32>} : memref<128x256xf32, #tpu.memory_space<vmem>>, vector<128x256xf32>,
    %eq3A_47 = arith.constant 9 : i32
    %eq3A_48 = arith.cmpi eq, %arg0, %eq3A_47 : i32
    %convert_element_type3A_49 = arith.extui %eq3A_48 : i1 to i32
    %cond3A_50 = arith.constant 0 : i32
    %cond3A_51 = arith.cmpi ne, %convert_element_type3A_49, %cond3A_50 : i32
    scf.if %cond3A_51 {
      %get3A_52 = arith.constant 0 : index
      %get3A_53 = arith.constant 0 : index
      %get3A_54 = vector.load %arg10[%get3A_52, %get3A_53] : memref<128x256xf32, #tpu.memory_space<vmem>>, vector<64x256xf32>
      %get3A_55 = arith.constant 0 : index
      %get3A_56 = arith.constant 0 : index
      %get3A_57 = vector.load %arg11[%get3A_55, %get3A_56] : memref<128x256xf32, #tpu.memory_space<vmem>>, vector<64x256xf32>
      %max3A_58 = arith.constant 1.000000e+00 : f32
      %max3A_59 = vector.broadcast %max3A_58 : f32 to vector<64x256xf32>
      %max3A_60 = arith.maximumf %get3A_57, %max3A_59 : vector<64x256xf32>
      %div3A_61 = arith.divf %get3A_54, %max3A_60 : vector<64x256xf32>
      %swap3A_62 = arith.constant 0 : index
      %swap3A_63 = arith.constant 0 : index
      %swap3A_64 = vector.load %arg8[%swap3A_62, %swap3A_63] : memref<64x256xf32, #tpu.memory_space<vmem>>, vector<64x256xf32>
      tpu.vector_store %arg8[%swap3A_62, %swap3A_63], %div3A_61 {strides = array<i32>} : memref<64x256xf32, #tpu.memory_space<vmem>>, vector<64x256xf32>,
      %get3A_65 = arith.constant 0 : index
      %get3A_66 = arith.constant 0 : index
      %get3A_67 = vector.load %arg5[%get3A_65, %get3A_66] : memref<256x128xf32, #tpu.memory_space<vmem>>, vector<256x128xf32>
      %dot_general3A_68 = arith.constant dense<0.000000e+00> : vector<64x128xf32>
      %dot_general3A_69 = tpu.matmul %div3A_61, %get3A_67, %dot_general3A_68 {dimension_numbers = #tpu.dot_dimension_numbers<[1], [0], [0], [1], [0, 0, 1, 1], [], []>, transpose_lhs_hint = false} : vector<64x256xf32>, vector<256x128xf32>, vector<64x128xf32> -> vector<64x128xf32>
      %get3A_70 = arith.constant 0 : index
      %get3A_71 = arith.constant 0 : index
      %get3A_72 = vector.load %arg6[%get3A_70, %get3A_71] : memref<8x128xf32, #tpu.memory_space<vmem>>, vector<1x128xf32>
      %get3A_73 = vector.shape_cast %get3A_72 : vector<1x128xf32> to vector<128xf32>
      %broadcast_in_dim3A_74 = vector.shape_cast %get3A_73 : vector<128xf32> to vector<1x128xf32>
      %add3A_75 = vector.broadcast %broadcast_in_dim3A_74 : vector<1x128xf32> to vector<64x128xf32>
      %add3A_76 = arith.addf %dot_general3A_69, %add3A_75 : vector<64x128xf32>
      %swap3A_77 = arith.constant 0 : index
      %swap3A_78 = arith.constant 0 : index
      %swap3A_79 = vector.load %arg9[%swap3A_77, %swap3A_78] : memref<64x128xf32, #tpu.memory_space<vmem>>, vector<64x128xf32>
      tpu.vector_store %arg9[%swap3A_77, %swap3A_78], %add3A_76 {strides = array<i32>} : memref<64x128xf32, #tpu.memory_space<vmem>>, vector<64x128xf32>,
    } else {
    }
    return
  }
  func.func @transform_0(%arg0: i32) -> (i32, i32, i32) {
    %c0_i32 = arith.constant 0 : i32
    %c0_i32_0 = arith.constant 0 : i32
    %c0_i32_1 = arith.constant 0 : i32
    return %c0_i32, %arg0, %c0_i32_0 : i32, i32, i32
  }
  func.func @transform_1(%arg0: i32) -> (i32, i32) {
    %c0_i32 = arith.constant 0 : i32
    %c0_i32_0 = arith.constant 0 : i32
    return %arg0, %c0_i32 : i32, i32
  }
  func.func @transform_2(%arg0: i32) -> (i32, i32) {
    %c0_i32 = arith.constant 0 : i32
    %c0_i32_0 = arith.constant 0 : i32
    return %arg0, %c0_i32 : i32, i32
  }
  func.func @transform_3(%arg0: i32) -> (i32, i32) {
    %c0_i32 = arith.constant 0 : i32
    %c0_i32_0 = arith.constant 0 : i32
    %c0_i32_1 = arith.constant 0 : i32
    return %c0_i32, %c0_i32_0 : i32, i32
  }
  func.func @transform_4(%arg0: i32) -> (i32, i32) {
    %c0_i32 = arith.constant 0 : i32
    %c0_i32_0 = arith.constant 0 : i32
    %c0_i32_1 = arith.constant 0 : i32
    return %c0_i32, %c0_i32_0 : i32, i32
  }
  func.func @transform_5(%arg0: i32) -> (i32, i32) {
    %c0_i32 = arith.constant 0 : i32
    %c0_i32_0 = arith.constant 0 : i32
    %c0_i32_1 = arith.constant 0 : i32
    return %c0_i32, %c0_i32_0 : i32, i32
  }
  func.func @transform_6(%arg0: i32) -> (i32, i32) {
    %c0_i32 = arith.constant 0 : i32
    %c0_i32_0 = arith.constant 0 : i32
    return %arg0, %c0_i32 : i32, i32
  }
  func.func @transform_7(%arg0: i32) -> (i32, i32) {
    %c0_i32 = arith.constant 0 : i32
    %c0_i32_0 = arith.constant 0 : i32
    %c0_i32_1 = arith.constant 0 : i32
    return %c0_i32, %c0_i32_0 : i32, i32
  }
  func.func @transform_8(%arg0: i32) -> (i32, i32) {
    %c0_i32 = arith.constant 0 : i32
    %c0_i32_0 = arith.constant 0 : i32
    %c0_i32_1 = arith.constant 0 : i32
    return %c0_i32, %c0_i32_0 : i32, i32
  }
}

</mosaic_0001>

<sc_bundles>
// kernel: sc_edge_agg.3.cloned.1.call-start
scs
__scs_entry_jumppad:
0x0: {  	(pc) =	sbr.rel $0x88, $3  }
0x1: {  	(tag) =	ssettag $0x0;
	lr =	simm.s32 $0x1  }
0x2: {  	[smem:$0x3F9B] =	sst lr;
	_ =	strace $0xD0000000  }
0x3: {  	_ = 	snop  }
0x4: {  	_ = 	snop  }
0x5: {  	_ = 	snop  }
0x6: {  	_ = 	snop  }
0x7: {  	_ = 	snop  }
__scs_overlays_trampoline_lowered:
0x8: {  	[smem:$0x3FAA] =	sst s0  }
0x9: {  	[smem:$0x3FAB] =	sst s1  }
0xa: {  	[smem:$0x3FAC] =	sst s2  }
0xb: {  	[smem:$0x3FAD] =	sst s3  }
0xc: {  	[smem:$0x3FAE] =	sst s4  }
0xd: {  	[smem:$0x3FAF] =	sst s5  }
0xe: {  	[smem:$0x3FB0] =	sst s6  }
0xf: {  	[smem:$0x3FB1] =	sst s7  }
0x10: {  	[smem:$0x3FB2] =	sst s8  }
0x11: {  	[smem:$0x3FB3] =	sst s9;
	s0 =	simm.s32 @!p0 $0x0  }
0x12: {  	s1 =	sld [smem:$0x3F99];
	s0 =	simm.s32 @p0 $0x1  }
0x13: {  	[smem:$0x3FB4] =	sst s0;
	s0 =	simm.s32 @!p1 $0x0  }
0x14: {  	s2 =	sld [smem:$0x3F98];
	s0 =	simm.s32 @p1 $0x1  }
0x15: {  	[smem:$0x3FB5] =	sst s0;
	s0 =	simm.s32 @!p2 $0x0  }
0x16: {  	s3 =	sld [smem:$0x3FDB];
	s0 =	simm.s32 @p2 $0x1  }
0x17: {  	s4 =	simm.s32 $0x1BF5;
	[smem:$0x3FB7] =	sst s0  }
0x18: {  	s0 =	sld [smem:$0x3F9A];
	_ =	swait.ge [sflag:s4], $0x0  }
0x19: {  	s7 =	sld [smem:$0x3F9B]  }
0x1a: {  	s8 =	sadd.s32 $0xFFFFE003, lr  }
0x1b: {  	s9 =	sadd.s32 $0xFFFFFEF7, lr;
	s5 =	simm.s32 $0xFFFFFFFF;
	p2 =	slt.u32 s8, $0xFFFFF086  }
0x1c: {  	p1 =	slt.u32 s9, $0xF7A;
	s5 =	simm.s32 @!p2 $0x0  }
0x1d: {  	s5 =	simm.s32 @p1 $0x1;
	p0 =	seq.s32 s7, s2  }
0x1e: {  	s7 =	smul.u32 @!p0 $0xF7A, s2;
	p2 =	seq.s32 @!p0 s5, $0x0  }
0x1f: {  	s9 =	smul.u32 $0xF7A, s1;
	s8 =	simm.s32 @!p0 $0x1BF5;
	p2 =	por !p2, p0  }
0x20: {  	[sflag:s8] =	ssyncset.s32 @!p0 $0xFFFFF086;
	s6 =	sadd.s32 @!p0 s3, s7;
	s7 =	simm.s32 @!p0 $0x108  }
0x21: {  	s3 =	sadd.s32 s3, s9;
	s6 =	sadd.s32 @!p0 $0x88, s6;
	s7 =	simm.s32 @p2 $0x1082  }
0x22: {  	[simem:s7], [sflag:s8] =	dma.local @!p0 [hbm:s6], $0xF7A  }
0x23: {  	s9 =	sor.u32 $0xD0000000, s2;
	s6 =	simm.s32 $0x108;
	_ =	swait.ge @!p0 [sflag:s8], $0x0  }
0x24: {  	s3 =	sadd.s32 $0x88, s3;
	s6 =	simm.s32 @!p1 $0x1082;
	[sflag:s4] =	ssyncset.s32 $0xFFFFF086  }
0x25: {  	[simem:s6], [sflag:s4] =	dma.local [hbm:s3], $0xF7A  }
0x26: {  	[smem:$0x3F9B] =	sst s1;
	(tag) =	ssettag s2;
	_ =	strace s9  }
0x27: {  	s1 =	sld [smem:$0x3FAB]  }
0x28: {  	s2 =	sld [smem:$0x3FAC]  }
0x29: {  	s4 =	sld [smem:$0x3FAE]  }
0x2a: {  	p0 =	seq.s32 s5, $0x0;
	s5 =	sld [smem:$0x3FAF]  }
0x2b: {  	s6 =	sld [smem:$0x3FB0]  }
0x2c: {  	s7 =	sld [smem:$0x3FB1]  }
0x2d: {  	s3 =	simm.s32 $0x108;
	s8 =	sld [smem:$0x3FB2]  }
0x2e: {  	s3 =	simm.s32 @!p0 $0x1082;
	s9 =	sld [smem:$0x3FB3]  }
0x2f: {  	lr =	sadd.s32 s0, s3;
	s0 =	sld [smem:$0x3FAA]  }
0x30: {  	s3 =	sld [smem:$0x3FAD]  }
0x31: {  	[smem:$0x3FB6] =	sst s10  }
0x32: {  	s10 =	sld [smem:$0x3FB4];
	_ =	sdelay $0x3  }
0x33: {  	p0 =	seq.s32 s10, $0x1;
	s10 =	sld [smem:$0x3FB6];
	_ =	sdelay $0x3  }
0x34: {  	[smem:$0x3FB6] =	sst s10  }
0x35: {  	s10 =	sld [smem:$0x3FB5];
	_ =	sdelay $0x3  }
0x36: {  	p1 =	seq.s32 s10, $0x1;
	s10 =	sld [smem:$0x3FB6];
	_ =	sdelay $0x3  }
0x37: {  	[smem:$0x3FB6] =	sst s10  }
0x38: {  	s10 =	sld [smem:$0x3FB7]  }
0x39: {  	_ = 	snop;
	(pc) =	sbr.ind lr, $3  }
0x3a: {  	_ = 	snop  }
0x3b: {  	_ = 	snop  }
0x3c: {  	p2 =	seq.s32 s10, $0x1;
	s10 =	sld [smem:$0x3FB6]  }
0x3d: {  	_ =	shalt  }
0x3e: {  	_ =	shalt  }
0x3f: {  	_ =	shalt  }
0x40: {  	_ =	shalt  }
0x41: {  	_ =	shalt  }
0x42: {  	_ =	shalt  }
0x43: {  	_ =	shalt  }
0x44: {  	_ =	shalt  }
0x45: {  	_ =	shalt  }
0x46: {  	_ =	shalt  }
0x47: {  	_ =	shalt  }
0x48: {  	_ =	shalt  }
0x49: {  	_ =	shalt  }
0x4a: {  	_ =	shalt  }
0x4b: {  	_ =	shalt  }
0x4c: {  	_ =	shalt  }
0x4d: {  	_ =	shalt  }
0x4e: {  	_ =	shalt  }
0x4f: {  	_ =	shalt  }
0x50: {  	_ =	shalt  }
0x51: {  	_ =	shalt  }
0x52: {  	_ =	shalt  }
0x53: {  	_ =	shalt  }
0x54: {  	_ =	shalt  }
0x55: {  	_ =	shalt  }
0x56: {  	_ =	shalt  }
0x57: {  	_ =	shalt  }
0x58: {  	_ =	shalt  }
0x59: {  	_ =	shalt  }
0x5a: {  	_ =	shalt  }
0x5b: {  	_ =	shalt  }
0x5c: {  	_ =	shalt  }
0x5d: {  	_ =	shalt  }
0x5e: {  	_ =	shalt  }
0x5f: {  	_ =	shalt  }
0x60: {  	_ =	shalt  }
0x61: {  	_ =	shalt  }
0x62: {  	_ =	shalt  }
0x63: {  	_ =	shalt  }
0x64: {  	_ =	shalt  }
0x65: {  	_ =	shalt  }
0x66: {  	_ =	shalt  }
0x67: {  	_ =	shalt  }
0x68: {  	_ =	shalt  }
0x69: {  	_ =	shalt  }
0x6a: {  	_ =	shalt  }
0x6b: {  	_ =	shalt  }
0x6c: {  	_ =	shalt  }
0x6d: {  	_ =	shalt  }
0x6e: {  	_ =	shalt  }
0x6f: {  	_ =	shalt  }
0x70: {  	_ =	shalt  }
0x71: {  	_ =	shalt  }
0x72: {  	_ =	shalt  }
0x73: {  	_ =	shalt  }
0x74: {  	_ =	shalt  }
0x75: {  	_ =	shalt  }
0x76: {  	_ =	shalt  }
0x77: {  	_ =	shalt  }
0x78: {  	_ =	shalt  }
0x79: {  	_ =	shalt  }
0x7a: {  	_ =	shalt  }
0x7b: {  	_ =	shalt  }
0x7c: {  	_ =	shalt  }
0x7d: {  	_ =	shalt  }
0x7e: {  	_ =	shalt  }
0x7f: {  	_ =	shalt  }
0x80: {  	_ =	shalt  }
0x81: {  	_ =	shalt  }
0x82: {  	_ =	shalt  }
0x83: {  	_ =	shalt  }
0x84: {  	_ =	shalt  }
0x85: {  	_ =	shalt  }
0x86: {  	_ =	shalt  }
0x87: {  	_ =	shalt  }
.Lfunc_end0:
.L_simem_size_0:
called_computation_lowered:
.L_overlay_start_0:
0x88: {  	s2 =	sld [smem:$0x3FD9]  }
0x89: {  	s3 =	sld [smem:$0x3FFE];
	_ =	sdelay $0x1  }
0x8a: {  	s1 =	srdreg.scid  }
0x8b: {  	s0 =	sand.u32 $0x1, s1  }
0x8c: {  	s14 =	sshll.u32 s0, $0xA;
	s2 =	sadd.s32 s3, s2  }
0x8d: {  	s2 =	sadd.s32 s2, s14  }
0x8e: {  	[smem:$0x3FC2] =	sst s2  }
0x8f: {  	_ = 	snop  }
0x90: {  	s2 =	sld [smem:$0x3FD0];
	_ =	sdelay $0x2  }
0x91: {  	s15 =	simm.s32 $0xA;
	s4 =	simm.s32 $0x10  }
0x92: {  	[smem:s4], [sflag:s15] =	dma.local [hbm:s2], $0x1  }
0x93: {  	_ =	swait.eq [sflag:s15], $0x1  }
0x94: {  	s16 =	sld [smem:$0x10];
	[sflag:s15] =	ssyncset.done $0x0  }
0x95: {  	s17 =	sld [smem:$0x11];
	[sflag:s15] =	ssyncadd.s32 $0xFFFFFFFF  }
0x96: {  	s18 =	sld [smem:$0x12];
	(tm) =	ssettm $0x1  }
0x97: {  	s5 =	sld [smem:$0x3FFB];
	_ =	sdelay $0x3  }
0x98: {  	_ =	strace s5  }
0x99: {  	s5 =	sld [smem:$0x3FFC];
	_ =	sdelay $0x3  }
0x9a: {  	_ =	strace s5  }
0x9b: {  	s5 =	sld [smem:$0x3FFD];
	_ =	sdelay $0x3  }
0x9c: {  	_ =	strace s5  }
0x9d: {  	_ =	strace $0x8FFFFFFF  }
0x9e: {  	s19 =	sld [smem:$0x3FDB];
	_ =	sdelay $0x1  }
0x9f: {  	s6 =	simm.s32 $_scs_section_size  }
0xa0: {  	s7 =	simm.s32 $_size__tile_overlayer_lowered;
	s8 =	simm.s32 $_tile_overlayer_lowered  }
0xa1: {  	s22 =	simm.s32 $0x1BFF;
	s21 =	sshll.u32 s8, $0x1;
	s5 =	sadd.s32 s6, s19  }
0xa2: {  	s9 =	simm.s32 $0x0;
	s20 =	sshll.u32 s7, $0x1;
	s7 =	sadd.s32 s21, s5  }
0xa3: {  	[timem:s9], [sflag:s22] =	dma.local [hbm:s7], s20  }
0xa4: {  	_ =	swait.ge [sflag:s22], s20  }
0xa5: {  	s6 =	ssub.s32 $0x0, s20;
	[sflag:s22] =	ssyncset.done $0x0  }
0xa6: {  	[sflag:s22] =	ssyncadd.s32 s6;
	_ =	sdelay $0x1  }
0xa7: {  	s23 =	simm.s32 $0x1B8B  }
0xa8: {  	_ =	swait.ge [sflag:s23], $0x1  }
0xa9: {  	[sflag:s23] =	ssyncset.done $0x0  }
0xaa: {  	s25 =	simm.s32 $0x1B8E;
	s24 =	sld [smem:$0x3FFE];
	[sflag:s23] =	ssyncadd.s32 $0xFFFFFFFF  }
0xab: {  	s26 =	simm.s32 $execute0_lowered;
	[smem:$0x3FD2] =	sst s25  }
0xac: {  	s7 =	sshll.u32 s26, $0x1;
	_ =	strace $0x80000046;
	[dreg:$0x1] =	wrdreg $0xFFFFFFFF  }
0xad: {  	s28 =	simm.s32 $_size_execute0_lowered;
	s5 =	sadd.s32 s5, s7;
	[dreg:$0x0] =	wrdreg $0x0  }
0xae: {  	s7 =	sshll.u32 s28, $0x1;
	[dreg:$0x2] =	wrdreg s5  }
0xaf: {  	[dreg:$0x3] =	wrdreg s7  }
0xb0: {  	[dreg:$0x4] =	wrdreg $0xC0  }
0xb1: {  	_ =	task [dreg:s9], $0x5FFFF  }
0xb2: {  	[dreg:$0x1] =	wrdreg $0xFFFFFFFF  }
0xb3: {  	[dreg:$0x0] =	wrdreg $0x60  }
0xb4: {  	[dreg:$0x2] =	wrdreg s17  }
0xb5: {  	[dreg:$0x3] =	wrdreg s24  }
0xb6: {  	[dreg:$0x4] =	wrdreg s16  }
0xb7: {  	[dreg:$0x5] =	wrdreg s18  }
0xb8: {  	[dreg:$0x6] =	wrdreg $0x0  }
0xb9: {  	[dreg:$0x7] =	wrdreg $0x9  }
0xba: {  	_ =	task.clear_ibuf [dreg:s9], $0x8FFFF;
	_ =	strace $0x90000046  }
0xbb: {  	s29 =	simm.s32 $0x9;
	_ =	strace $0x80000048  }
0xbc: {  	_ =	swait.ge [sflag:s29], $0x1  }
0xbd: {  	[sflag:s29] =	ssyncadd.s32 $0xFFFFFFFF  }
0xbe: {  	_ =	strace $0x90000048  }
0xbf: {  	_ =	sfence  }
0xc0: {  	s30 =	sld [smem:$0x0];
	_ =	sdelay $0x2  }
0xc1: {  	s31 =	sshll.u32 s1, $0xD;
	s1 =	sshrl.u32 s1, $0x2  }
0xc2: {  	s3 =	sand.u32 $0x4000, s31;
	s1 =	sadd.s32 s1, s30  }
0xc3: {  	s0 =	sor.u32 s3, s0;
	s1 =	sshll.u32 s1, $0x11  }
0xc4: {  	s0 =	sor.u32 s1, s0  }
0xc5: {  	s0 =	sadd.s32 $0x8F2B, s0  }
0xc6: {  	[sflag:s0] =	ssyncadd.remote.s32 $0x1  }
0xc7: {  	_ =	sfence.sel $0xFFFF  }
0xc8: {  	[dreg:$0x0] =	wrdreg $0xFFFFFFFF;
	(pc) =	sbr.abs _section_cstart, $3  }
0xc9: {  	[dreg:$0x1] =	wrdreg $0xFFFFFFFF  }
0xca: {  	_ =	task.clear_ibuf [dreg:s9], $0x2FFFF;
	_ =	strace $0x9FFFFFFF  }
0xcb: {  	(tm) =	ssettm $0x7FFFFFFF  }
tec
execute0_lowered:
.L_overlay_start_1:
0x0: {  	(tag) =	ssettag $0x1  }
0x1: {  	s0 =	srdreg.scid;
	s25 =	rddreg [dreg:$0x1]  }
0x2: {  	s4 =	stileid.u32;
	s31 =	rddreg [dreg:$0x4]  }
0x3: {  	s0 =	sand.u32 $0x1, s0;
	s2 =	smul.u32 $0x14000, s4;
	s26 =	sadd.s32 $0x5F200, s25  }
0x4: {  	s28 =	sadd.s32 $0xF200, s25;
	s1 =	ssub.s32 $0x2, s0;
	s14 =	smul.u32 $0x140000, s0  }
0x5: {  	s3 =	sshrl.u32 s1, $0x1;
	s5 =	sadd.s32 $0x6000, s2;
	s6 =	sadd.s32 $0x8000, s2  }
0x6: {  	s7 =	sadd.s32 $0xA000, s2;
	s8 =	sadd.s32 $0xC000, s2;
	s9 =	sadd.s32 $0xE000, s2  }
0x7: {  	s10 =	sadd.s32 $0x10000, s2;
	s11 =	sadd.s32 $0x12000, s2;
	s1 =	ssub.s32 s1, s3  }
0x8: {  	s3 =	sor.u32 $0x2000, s2;
	s19 =	sadd.s32 s14, s5;
	s20 =	sadd.s32 s14, s6  }
0x9: {  	s21 =	sadd.s32 s14, s7;
	s22 =	sadd.s32 s14, s8;
	s23 =	sadd.s32 s14, s9  }
0xa: {  	[smem:$0x7FC] =	sst s1;
	s1 =	sadd.s32 $0x4000, s2;
	s2 =	sadd.s32 s2, s14  }
0xb: {  	s24 =	sadd.s32 s14, s10;
	s17 =	sadd.s32 s14, s3;
	s2 =	sshrl.u32 s2, $0x3  }
0xc: {  	s19 =	sshrl.u32 s19, $0x3;
	s17 =	sshrl.u32 s17, $0x3;
	s29 =	sadd.s32 s26, s2  }
0xd: {  	s18 =	sadd.s32 s14, s1;
	s2 =	sadd.s32 s28, s2;
	[dreg:$0x6] =	wrdreg s29  }
0xe: {  	s18 =	sshrl.u32 s18, $0x3;
	s29 =	sadd.s32 s26, s17;
	[dreg:$0x10] =	wrdreg s2  }
0xf: {  	s20 =	sshrl.u32 s20, $0x3;
	[dreg:$0x7] =	wrdreg s29;
	s29 =	sadd.s32 s26, s18  }
0x10: {  	s21 =	sshrl.u32 s21, $0x3;
	[dreg:$0x8] =	wrdreg s29;
	s29 =	sadd.s32 s26, s19  }
0x11: {  	s22 =	sshrl.u32 s22, $0x3;
	[dreg:$0x9] =	wrdreg s29;
	s29 =	sadd.s32 s26, s20  }
0x12: {  	s23 =	sshrl.u32 s23, $0x3;
	[dreg:$0xa] =	wrdreg s29;
	s29 =	sadd.s32 s26, s21  }
0x13: {  	s24 =	sshrl.u32 s24, $0x3;
	[dreg:$0xb] =	wrdreg s29;
	s29 =	sadd.s32 s26, s22  }
0x14: {  	s14 =	sadd.s32 s14, s11;
	[dreg:$0xc] =	wrdreg s29;
	s29 =	sadd.s32 s26, s23  }
0x15: {  	s14 =	sshrl.u32 s14, $0x3;
	[dreg:$0xd] =	wrdreg s29;
	s29 =	sadd.s32 s26, s24  }
0x16: {  	s26 =	sadd.s32 s26, s14;
	[dreg:$0xe] =	wrdreg s29  }
0x17: {  	s14 =	sadd.s32 s28, s14;
	[dreg:$0xf] =	wrdreg s26;
	s29 =	sadd.s32 s28, s17  }
0x18: {  	s17 =	sadd.s32 s28, s18;
	s18 =	sadd.s32 s28, s19;
	s19 =	sadd.s32 s28, s20  }
0x19: {  	s20 =	sadd.s32 s28, s21;
	s21 =	sadd.s32 s28, s22;
	[dreg:$0x19] =	wrdreg s14  }
0x1a: {  	s22 =	sadd.s32 s28, s23;
	s23 =	sadd.s32 s28, s24;
	s28 =	rddreg [dreg:$0x0]  }
0x1b: {  	[dreg:$0x11] =	wrdreg s29  }
0x1c: {  	[dreg:$0x12] =	wrdreg s17  }
0x1d: {  	s12 =	smul.u32 $0x2710, s4;
	[dreg:$0x13] =	wrdreg s18  }
0x1e: {  	s13 =	smul.u32 $0x27100, s0;
	[dreg:$0x14] =	wrdreg s19  }
0x1f: {  	s15 =	sadd.s32 $0x26C0, s12;
	[dreg:$0x15] =	wrdreg s20  }
0x20: {  	s16 =	sadd.s32 s13, s15;
	s12 =	sadd.s32 s12, s13;
	[dreg:$0x16] =	wrdreg s21  }
0x21: {  	s16 =	sshrl.u32 s16, $0x3;
	s3 =	sadd.s32 s3, s31;
	[dreg:$0x17] =	wrdreg s22  }
0x22: {  	s1 =	sadd.s32 s1, s31;
	s24 =	sadd.s32 $0x5400, s25;
	[dreg:$0x18] =	wrdreg s23  }
0x23: {  	s26 =	sadd.s32 s24, s16;
	s29 =	sshll.u32 s0, $0x4;
	s0 =	smul.u32 $0x13880, s0  }
0x24: {  	s16 =	sadd.s32 $0x50, s12;
	s12 =	sshrl.u32 s12, $0x3;
	s17 =	smul.u32 $0x1388, s4  }
0x25: {  	s19 =	sadd.s32 $0x400, s25;
	s20 =	sshrl.u32 s15, $0x3;
	s21 =	smul.u32 $0x4E2, s4  }
0x26: {  	s15 =	sadd.s32 s5, s31;
	s5 =	simm.s32 $0x14100;
	[dreg:$0x1a] =	wrdreg s26  }
0x27: {  	s14 =	sshrl.u32 s16, $0x3;
	s22 =	sadd.s32 s12, s24;
	s18 =	sor.u32 s4, s29  }
0x28: {  	s13 =	sadd.s32 s19, s20;
	s29 =	smul.u32 $0x50000, s4;
	s16 =	sadd.s32 s6, s31  }
0x29: {  	s20 =	sadd.s32 s10, s31;
	s6 =	simm.s32 $0x28;
	s23 =	sadd.s32 s14, s24  }
0x2a: {  	s0 =	sadd.s32 s17, s0;
	s24 =	simm.s32 $0x0;
	[dreg:$0x1b] =	wrdreg s13  }
0x2b: {  	s2 =	smul.u32 $0x1388, s18;
	s26 =	sadd.s32 s21, s19;
	[smem:$0x7FF] =	sst s24  }
0x2c: {  	s14 =	sshll.u32 s4, $0x6;
	_ =	strace $0x80000047;
	[dreg:$0x1d] =	wrdreg s3  }
0x2d: {  	s17 =	sadd.s32 s7, s31;
	s18 =	sadd.s32 s8, s31;
	[dreg:$0x1e] =	wrdreg s1  }
0x2e: {  	s21 =	sadd.s32 s11, s31;
	s4 =	simm.s32 $0x4;
	[dreg:$0x1f] =	wrdreg s15  }
0x2f: {  	s7 =	simm.s32 $0x16A80;
	s8 =	simm.s32 $0x0;
	[smem:$0x7F5] =	sst s16  }
0x30: {  	s25 =	sshrl.u32 s0, $0x3;
	s0 =	sadd.s32 $0x28, s0;
	[smem:$0x7F6] =	sst s17  }
0x31: {  	s12 =	sshrl.u32 s29, $0x2;
	s2 =	sshrl.u32 s2, $0x3;
	[smem:$0x7F7] =	sst s18  }
0x32: {  	s0 =	sshrl.u32 s0, $0x3;
	s30 =	sadd.s32 s25, s19;
	[smem:$0x7F9] =	sst s20  }
0x33: {  	[smem:$0x7FA] =	sst s21;
	s15 =	simm.s32 $0x14000;
	s16 =	simm.s32 $0x14080  }
0x34: {  	s17 =	simm.s32 $0x50;
	s18 =	simm.s32 $0x14180;
	s20 =	simm.s32 $0x16A00  }
0x35: {  	s21 =	simm.s32 $0x1;
	s3 =	simm.s32 $0x3;
	s13 =	sadd.s32 s19, s2  }
0x36: {  	s0 =	sadd.s32 s0, s19;
	s2 =	sadd.s32 s12, s31;
	s29 =	sld [smem:$0x7FC]  }
0x37: {  	s19 =	sadd.s32 s9, s31;
	[dreg:$0x1c] =	wrdreg s2;
	s2 =	sor.u32 $0x1C05, s14  }
0x38: {  	[smem:$0x7F8] =	sst s19;
	s25 =	sadd.s32 $0x26C, s13;
	s14 =	simm.s32 $0x5  }
0x39: {  	s19 =	simm.s32 $0x16980;
	[smem:$0x7FB] =	sst s25;
	s1 =	smax.u32 s29, $0x1  }
0x3a: {  	s25 =	simm.s32 $0x16B00;
	[smem:$0x7FD] =	sst s1;
	s1 =	simm.s32 $0x2  }
.LBB2_1:
0x3b: {  	[smem:$0x7EA] =	sst s8  }
0x3c: {  	s9 =	rddreg [dreg:$0x1c]  }
0x3d: {  	s10 =	rddreg [dreg:$0x2];
	s9 =	sshrl.u32 s9, $0x3  }
0x3e: {  	[smem:$0x7EB] =	sst s9  }
0x3f: {  	[spmem:s9], [sflag:s2] =	dma.local [hbm:s10], $0x400  }
0x40: {  	_ =	swait.ge [sflag:s14], $0x400  }
0x41: {  	s13 =	rddreg [dreg:$0x1d]  }
0x42: {  	[sflag:s14] =	ssyncset.done $0x0;
	s9 =	sshrl.u32 s13, $0x3  }
0x43: {  	[sflag:s14] =	ssyncadd.s32 $0xFFFFFC00;
	[smem:$0x7EC] =	sst s9  }
0x44: {  	[spmem:s9], [sflag:s2] =	dma.local [hbm:s10], $0x400  }
0x45: {  	_ =	swait.ge [sflag:s14], $0x400  }
0x46: {  	s29 =	rddreg [dreg:$0x1e]  }
0x47: {  	[sflag:s14] =	ssyncset.done $0x0;
	s9 =	sshrl.u32 s29, $0x3  }
0x48: {  	[sflag:s14] =	ssyncadd.s32 $0xFFFFFC00;
	[smem:$0x7ED] =	sst s9  }
0x49: {  	[spmem:s9], [sflag:s2] =	dma.local [hbm:s10], $0x400  }
0x4a: {  	_ =	swait.ge [sflag:s14], $0x400  }
0x4b: {  	s8 =	rddreg [dreg:$0x1f]  }
0x4c: {  	[sflag:s14] =	ssyncset.done $0x0;
	s9 =	sshrl.u32 s8, $0x3  }
0x4d: {  	[sflag:s14] =	ssyncadd.s32 $0xFFFFFC00;
	[smem:$0x7EE] =	sst s9  }
0x4e: {  	[spmem:s9], [sflag:s2] =	dma.local [hbm:s10], $0x400  }
0x4f: {  	_ =	swait.ge [sflag:s14], $0x400  }
0x50: {  	s11 =	sld [smem:$0x7F5];
	_ =	sdelay $0x2  }
0x51: {  	[sflag:s14] =	ssyncset.done $0x0;
	s12 =	sshrl.u32 s11, $0x3  }
0x52: {  	[sflag:s14] =	ssyncadd.s32 $0xFFFFFC00;
	[smem:$0x7EF] =	sst s12  }
0x53: {  	[spmem:s12], [sflag:s2] =	dma.local [hbm:s10], $0x400  }
0x54: {  	_ =	swait.ge [sflag:s14], $0x400  }
0x55: {  	s13 =	sld [smem:$0x7F6];
	_ =	sdelay $0x2  }
0x56: {  	[sflag:s14] =	ssyncset.done $0x0;
	s29 =	sshrl.u32 s13, $0x3  }
0x57: {  	[sflag:s14] =	ssyncadd.s32 $0xFFFFFC00;
	[smem:$0x7F0] =	sst s29  }
0x58: {  	[spmem:s29], [sflag:s2] =	dma.local [hbm:s10], $0x400  }
0x59: {  	_ =	swait.ge [sflag:s14], $0x400  }
0x5a: {  	s8 =	sld [smem:$0x7F7];
	_ =	sdelay $0x2  }
0x5b: {  	[sflag:s14] =	ssyncset.done $0x0;
	s9 =	sshrl.u32 s8, $0x3  }
0x5c: {  	[sflag:s14] =	ssyncadd.s32 $0xFFFFFC00;
	[smem:$0x7F1] =	sst s9  }
0x5d: {  	[spmem:s9], [sflag:s2] =	dma.local [hbm:s10], $0x400  }
0x5e: {  	_ =	swait.ge [sflag:s14], $0x400  }
0x5f: {  	s11 =	sld [smem:$0x7F8];
	_ =	sdelay $0x2  }
0x60: {  	[sflag:s14] =	ssyncset.done $0x0;
	s12 =	sshrl.u32 s11, $0x3  }
0x61: {  	[sflag:s14] =	ssyncadd.s32 $0xFFFFFC00;
	[smem:$0x7F2] =	sst s12  }
0x62: {  	[spmem:s12], [sflag:s2] =	dma.local [hbm:s10], $0x400  }
0x63: {  	_ =	swait.ge [sflag:s14], $0x400  }
0x64: {  	s13 =	sld [smem:$0x7F9];
	_ =	sdelay $0x2  }
0x65: {  	[sflag:s14] =	ssyncset.done $0x0;
	s29 =	sshrl.u32 s13, $0x3  }
0x66: {  	[sflag:s14] =	ssyncadd.s32 $0xFFFFFC00;
	[smem:$0x7F3] =	sst s29  }
0x67: {  	[spmem:s29], [sflag:s2] =	dma.local [hbm:s10], $0x400  }
0x68: {  	_ =	swait.ge [sflag:s14], $0x400  }
0x69: {  	s8 =	sld [smem:$0x7FA];
	_ =	sdelay $0x2  }
0x6a: {  	[sflag:s14] =	ssyncset.done $0x0;
	s11 =	sshrl.u32 s8, $0x3  }
0x6b: {  	[sflag:s14] =	ssyncadd.s32 $0xFFFFFC00;
	[smem:$0x7F4] =	sst s11  }
0x6c: {  	[spmem:s11], [sflag:s2] =	dma.local [hbm:s10], $0x400  }
0x6d: {  	_ =	swait.ge [sflag:s14], $0x400  }
0x6e: {  	[sflag:s14] =	ssyncset.done $0x0  }
0x6f: {  	[sflag:s14] =	ssyncadd.s32 $0xFFFFFC00  }
0x70: {  	s12 =	sadd.s32 $0x0, s22;
	[bflag:$0x0] =	sbarrier.arrive $0xFFFF  }
0x71: {  	[tilespmem:s15], [sflag:$0x5] =	stream.linear.gather [hbm4b:s12+s24], $0x50, $0x38;
	[tilespmem:$0x19300] =	vst v63  }
0x72: {  	_ =	swait.ge [sflag:s14], $0x50  }
0x73: {  	[sflag:s14] =	ssyncset.done $0x0  }
0x74: {  	s13 =	sadd.s32 $0x0, s26;
	[sflag:s14] =	ssyncadd.s32 $0xFFFFFFB0  }
0x75: {  	[tilespmem:s16], [sflag:$0x5] =	stream.linear.gather [hbm4b:s13+s24], $0x50, $0x38;
	[tilespmem:$0x19300] =	vst v63  }
0x76: {  	_ =	swait.ge [sflag:s14], $0x50  }
0x77: {  	[sflag:s14] =	ssyncset.done $0x0  }
0x78: {  	[sflag:s14] =	ssyncadd.s32 $0xFFFFFFB0  }
0x79: {  	[tilespmem:s18], [sflag:$0x1] =	stream.indirect.gather [hbm4b:s28+s17], $0x80, s15, s17, $0xb8;
	[tilespmem:$0x19300] =	vst v63  }
0x7a: {  	s29 =	sadd.s32 $0x0, s23  }
0x7b: {  	[tilespmem:s19], [sflag:$0x5] =	stream.linear.gather [hbm4b:s29+s24], $0x50, $0x38;
	[tilespmem:$0x19300] =	vst v63  }
0x7c: {  	_ =	swait.ge [sflag:s14], $0x50  }
0x7d: {  	[sflag:s14] =	ssyncset.done $0x0  }
0x7e: {  	s9 =	sadd.s32 $0xA, s13;
	[sflag:s14] =	ssyncadd.s32 $0xFFFFFFB0  }
0x7f: {  	[tilespmem:s20], [sflag:$0x5] =	stream.linear.gather [hbm4b:s9+s24], $0x50, $0x38;
	[tilespmem:$0x19300] =	vst v63  }
0x80: {  	_ =	swait.ge [sflag:s14], $0x50  }
0x81: {  	[sflag:s14] =	ssyncset.done $0x0  }
0x82: {  	[sflag:s14] =	ssyncadd.s32 $0xFFFFFFB0  }
0x83: {  	_ =	swait.ge [sflag:s21], $0x2800  }
0x84: {  	[sflag:s21] =	ssyncset.done $0x0  }
0x85: {  	[sflag:s21] =	ssyncadd.s32 $0xFFFFD800  }
0x86: {  	[tilespmem:s25], [sflag:$0x2] =	stream.indirect.gather [hbm4b:s28+s17], $0x80, s19, s17, $0xb8;
	[tilespmem:$0x19300] =	vst v63  }
0x87: {  	_ = 	snop  }
0x88: {  	[spmem:s31] =	stream.indirect.scatter.add.f32 [tilespmem:s18], [sflag:$0x3], $0x80, s16, s17, $0xb8;
	[tilespmem:$0x19300] =	vst v63  }
0x89: {  	_ =	swait.ge [sflag:s1], $0x2800  }
0x8a: {  	[sflag:s1] =	ssyncset.done $0x0  }
0x8b: {  	[sflag:s1] =	ssyncadd.s32 $0xFFFFD800  }
0x8c: {  	[spmem:s31] =	stream.indirect.scatter.add.f32 [tilespmem:s25], [sflag:$0x4], $0x80, s20, s17, $0xb8;
	[tilespmem:$0x19300] =	vst v63  }
0x8d: {  	_ =	swait.ge [sflag:s3], $0x2800  }
0x8e: {  	[sflag:s3] =	ssyncset.done $0x0  }
0x8f: {  	[sflag:s3] =	ssyncadd.s32 $0xFFFFD800  }
0x90: {  	_ =	swait.ge [sflag:s4], $0x2800  }
0x91: {  	s10 =	simm.s32 $0x28;
	s9 =	simm.s32 $0x14;
	[sflag:s4] =	ssyncset.done $0x0  }
.LBB2_2:
0x92: {  	s12 =	sadd.s32 s9, s22  }
0x93: {  	[sflag:s4] =	ssyncadd.s32 $0xFFFFD800;
	s13 =	smov.u32 s10;
	s11 =	sadd.s32 $0x14, s10  }
0x94: {  	[tilespmem:s15], [sflag:$0x5] =	stream.linear.gather [hbm4b:s12+s24], $0x50, $0x38;
	[tilespmem:$0x19300] =	vst v63  }
0x95: {  	p0 =	sne.s32 s10, $0x4C4;
	_ =	swait.ge [sflag:s14], $0x50  }
0x96: {  	[sflag:s14] =	ssyncset.done $0x0  }
0x97: {  	s10 =	sadd.s32 s9, s26;
	[sflag:s14] =	ssyncadd.s32 $0xFFFFFFB0  }
0x98: {  	[tilespmem:s16], [sflag:$0x5] =	stream.linear.gather [hbm4b:s10+s24], $0x50, $0x38;
	[tilespmem:$0x19300] =	vst v63  }
0x99: {  	_ =	swait.ge [sflag:s14], $0x50  }
0x9a: {  	[sflag:s14] =	ssyncset.done $0x0  }
0x9b: {  	[sflag:s14] =	ssyncadd.s32 $0xFFFFFFB0  }
0x9c: {  	[tilespmem:s18], [sflag:$0x1] =	stream.indirect.gather [hbm4b:s28+s17], $0x80, s15, s17, $0xb8;
	[tilespmem:$0x19300] =	vst v63  }
0x9d: {  	s12 =	sadd.s32 s9, s23;
	s9 =	smov.u32 s13  }
0x9e: {  	[tilespmem:s19], [sflag:$0x5] =	stream.linear.gather [hbm4b:s12+s24], $0x50, $0x38;
	[tilespmem:$0x19300] =	vst v63  }
0x9f: {  	_ =	swait.ge [sflag:s14], $0x50  }
0xa0: {  	[sflag:s14] =	ssyncset.done $0x0  }
0xa1: {  	s10 =	sadd.s32 $0xA, s10;
	[sflag:s14] =	ssyncadd.s32 $0xFFFFFFB0  }
0xa2: {  	[tilespmem:s20], [sflag:$0x5] =	stream.linear.gather [hbm4b:s10+s24], $0x50, $0x38;
	[tilespmem:$0x19300] =	vst v63  }
0xa3: {  	_ =	swait.ge [sflag:s14], $0x50  }
0xa4: {  	[sflag:s14] =	ssyncset.done $0x0  }
0xa5: {  	[sflag:s14] =	ssyncadd.s32 $0xFFFFFFB0  }
0xa6: {  	_ =	swait.ge [sflag:s21], $0x2800  }
0xa7: {  	[sflag:s21] =	ssyncset.done $0x0  }
0xa8: {  	[sflag:s21] =	ssyncadd.s32 $0xFFFFD800  }
0xa9: {  	[tilespmem:s25], [sflag:$0x2] =	stream.indirect.gather [hbm4b:s28+s17], $0x80, s19, s17, $0xb8;
	[tilespmem:$0x19300] =	vst v63  }
0xaa: {  	_ = 	snop  }
0xab: {  	[spmem:s31] =	stream.indirect.scatter.add.f32 [tilespmem:s18], [sflag:$0x3], $0x80, s16, s17, $0xb8;
	[tilespmem:$0x19300] =	vst v63  }
0xac: {  	_ =	swait.ge [sflag:s1], $0x2800  }
0xad: {  	[sflag:s1] =	ssyncset.done $0x0  }
0xae: {  	[sflag:s1] =	ssyncadd.s32 $0xFFFFD800  }
0xaf: {  	[spmem:s31] =	stream.indirect.scatter.add.f32 [tilespmem:s25], [sflag:$0x4], $0x80, s20, s17, $0xb8;
	[tilespmem:$0x19300] =	vst v63  }
.Ltmp0:
0xb0: {  	_ =	swait.ge [sflag:s3], $0x2800;
	(pc) =	sbr.rel @p0 .LBB2_2-.Ltmp0, $4  }
0xb1: {  	[sflag:s3] =	ssyncset.done $0x0  }
0xb2: {  	[sflag:s3] =	ssyncadd.s32 $0xFFFFD800  }
0xb3: {  	_ =	swait.ge [sflag:s4], $0x2800  }
0xb4: {  	s10 =	smov.u32 s11;
	[sflag:s4] =	ssyncset.done $0x0  }
0xb5: {  	s10 =	sadd.s32 s9, s22;
	[sflag:s4] =	ssyncadd.s32 $0xFFFFD800  }
0xb6: {  	[tilespmem:s15], [sflag:$0x5] =	stream.linear.gather [hbm4b:s10+s24], $0x50, $0x38;
	[tilespmem:$0x19300] =	vst v63  }
0xb7: {  	_ =	swait.ge [sflag:s14], $0x50  }
0xb8: {  	[sflag:s14] =	ssyncset.done $0x0  }
0xb9: {  	s13 =	sadd.s32 s9, s26;
	[sflag:s14] =	ssyncadd.s32 $0xFFFFFFB0  }
0xba: {  	[tilespmem:s16], [sflag:$0x5] =	stream.linear.gather [hbm4b:s13+s24], $0x50, $0x38;
	[tilespmem:$0x19300] =	vst v63  }
0xbb: {  	_ =	swait.ge [sflag:s14], $0x50  }
0xbc: {  	[sflag:s14] =	ssyncset.done $0x0  }
0xbd: {  	[sflag:s14] =	ssyncadd.s32 $0xFFFFFFB0  }
0xbe: {  	[tilespmem:s18], [sflag:$0x1] =	stream.indirect.gather [hbm4b:s28+s17], $0x80, s15, s17, $0xb8;
	[tilespmem:$0x19300] =	vst v63  }
0xbf: {  	s29 =	sadd.s32 s9, s23  }
0xc0: {  	[tilespmem:s19], [sflag:$0x5] =	stream.linear.gather [hbm4b:s29+s24], $0x50, $0x38;
	[tilespmem:$0x19300] =	vst v63  }
0xc1: {  	_ =	swait.ge [sflag:s14], $0x50  }
0xc2: {  	[sflag:s14] =	ssyncset.done $0x0  }
0xc3: {  	s8 =	sadd.s32 $0xA, s13;
	[sflag:s14] =	ssyncadd.s32 $0xFFFFFFB0  }
0xc4: {  	[tilespmem:s20], [sflag:$0x5] =	stream.linear.gather [hbm4b:s8+s24], $0x50, $0x38;
	[tilespmem:$0x19300] =	vst v63  }
0xc5: {  	_ =	swait.ge [sflag:s14], $0x50  }
0xc6: {  	[sflag:s14] =	ssyncset.done $0x0  }
0xc7: {  	[sflag:s14] =	ssyncadd.s32 $0xFFFFFFB0  }
0xc8: {  	_ =	swait.ge [sflag:s21], $0x2800  }
0xc9: {  	[sflag:s21] =	ssyncset.done $0x0  }
0xca: {  	[sflag:s21] =	ssyncadd.s32 $0xFFFFD800  }
0xcb: {  	[tilespmem:s25], [sflag:$0x2] =	stream.indirect.gather [hbm4b:s28+s17], $0x80, s19, s17, $0xb8;
	[tilespmem:$0x19300] =	vst v63  }
0xcc: {  	_ = 	snop  }
0xcd: {  	[spmem:s31] =	stream.indirect.scatter.add.f32 [tilespmem:s18], [sflag:$0x3], $0x80, s16, s17, $0xb8;
	[tilespmem:$0x19300] =	vst v63  }
0xce: {  	_ =	swait.ge [sflag:s1], $0x2800  }
0xcf: {  	[sflag:s1] =	ssyncset.done $0x0  }
0xd0: {  	[sflag:s1] =	ssyncadd.s32 $0xFFFFD800  }
0xd1: {  	[spmem:s31] =	stream.indirect.scatter.add.f32 [tilespmem:s25], [sflag:$0x4], $0x80, s20, s17, $0xb8;
	[tilespmem:$0x19300] =	vst v63  }
0xd2: {  	_ =	swait.ge [sflag:s3], $0x2800  }
0xd3: {  	[sflag:s3] =	ssyncset.done $0x0  }
0xd4: {  	[sflag:s3] =	ssyncadd.s32 $0xFFFFD800  }
0xd5: {  	_ =	swait.ge [sflag:s4], $0x2800  }
0xd6: {  	[sflag:s4] =	ssyncset.done $0x0  }
0xd7: {  	s8 =	simm.s32 $0x0;
	s9 =	rddreg [dreg:$0x1a];
	[sflag:s4] =	ssyncadd.s32 $0xFFFFD800  }
0xd8: {  	[tilespmem:s15], [sflag:$0x5] =	stream.linear.gather [hbm4b:s9+s8], $0x50, $0x38;
	[tilespmem:$0x19300] =	vst v63  }
0xd9: {  	_ =	swait.ge [sflag:s14], $0x50  }
0xda: {  	[sflag:s14] =	ssyncset.done $0x0  }
0xdb: {  	s11 =	rddreg [dreg:$0x1b];
	[sflag:s14] =	ssyncadd.s32 $0xFFFFFFB0  }
0xdc: {  	[tilespmem:s16], [sflag:$0x5] =	stream.linear.gather [hbm4b:s11+s8], $0x50, $0x38;
	[tilespmem:$0x19300] =	vst v63  }
0xdd: {  	_ =	swait.ge [sflag:s14], $0x50  }
0xde: {  	[sflag:s14] =	ssyncset.done $0x0  }
0xdf: {  	[sflag:s14] =	ssyncadd.s32 $0xFFFFFFB0  }
0xe0: {  	[tilespmem:s18], [sflag:$0x1] =	stream.indirect.gather [hbm4b:s28+s17], $0x80, s15, s17, $0xb8;
	[tilespmem:$0x19300] =	vst v63  }
0xe1: {  	_ =	swait.ge [sflag:s21], $0x2800  }
0xe2: {  	[sflag:s21] =	ssyncset.done $0x0  }
0xe3: {  	[sflag:s21] =	ssyncadd.s32 $0xFFFFD800  }
0xe4: {  	[spmem:s31] =	stream.indirect.scatter.add.f32 [tilespmem:s18], [sflag:$0x5], $0x80, s16, s17, $0xb8;
	[tilespmem:$0x19300] =	vst v63  }
0xe5: {  	_ =	swait.ge [sflag:s14], $0x2800  }
0xe6: {  	[sflag:s14] =	ssyncset.done $0x0  }
0xe7: {  	[sflag:s14] =	ssyncadd.s32 $0xFFFFD800  }
0xe8: {  	[bflag:$0x0] =	sbarrier.arrive $0xFFFF  }
0xe9: {  	s11 =	sld [smem:$0x7EB];
	_ =	sdelay $0x1  }
0xea: {  	s12 =	rddreg [dreg:$0x6]  }
0xeb: {  	[hbm:s12], [sflag:s2] =	dma.local [spmem:s11], $0x400  }
0xec: {  	_ =	swait.ge [sflag:s14], $0x400  }
0xed: {  	s12 =	sld [smem:$0x7EC]  }
0xee: {  	[sflag:s14] =	ssyncset.done $0x0  }
0xef: {  	s13 =	rddreg [dreg:$0x7];
	[sflag:s14] =	ssyncadd.s32 $0xFFFFFC00  }
0xf0: {  	[hbm:s13], [sflag:s2] =	dma.local [spmem:s12], $0x400  }
0xf1: {  	_ =	swait.ge [sflag:s14], $0x400  }
0xf2: {  	s13 =	sld [smem:$0x7ED]  }
0xf3: {  	[sflag:s14] =	ssyncset.done $0x0  }
0xf4: {  	s29 =	rddreg [dreg:$0x8];
	[sflag:s14] =	ssyncadd.s32 $0xFFFFFC00  }
0xf5: {  	[hbm:s29], [sflag:s2] =	dma.local [spmem:s13], $0x400  }
0xf6: {  	_ =	swait.ge [sflag:s14], $0x400  }
0xf7: {  	s9 =	sld [smem:$0x7EE]  }
0xf8: {  	[sflag:s14] =	ssyncset.done $0x0  }
0xf9: {  	s8 =	rddreg [dreg:$0x9];
	[sflag:s14] =	ssyncadd.s32 $0xFFFFFC00  }
0xfa: {  	[hbm:s8], [sflag:s2] =	dma.local [spmem:s9], $0x400  }
0xfb: {  	_ =	swait.ge [sflag:s14], $0x400  }
0xfc: {  	s9 =	sld [smem:$0x7EF]  }
0xfd: {  	[sflag:s14] =	ssyncset.done $0x0  }
0xfe: {  	s29 =	rddreg [dreg:$0xa];
	[sflag:s14] =	ssyncadd.s32 $0xFFFFFC00  }
0xff: {  	[hbm:s29], [sflag:s2] =	dma.local [spmem:s9], $0x400  }
0x100: {  	_ =	swait.ge [sflag:s14], $0x400  }
0x101: {  	s29 =	sld [smem:$0x7F0]  }
0x102: {  	[sflag:s14] =	ssyncset.done $0x0  }
0x103: {  	s8 =	rddreg [dreg:$0xb];
	[sflag:s14] =	ssyncadd.s32 $0xFFFFFC00  }
0x104: {  	[hbm:s8], [sflag:s2] =	dma.local [spmem:s29], $0x400  }
0x105: {  	_ =	swait.ge [sflag:s14], $0x400  }
0x106: {  	s29 =	sld [smem:$0x7F1]  }
0x107: {  	[sflag:s14] =	ssyncset.done $0x0  }
0x108: {  	s8 =	rddreg [dreg:$0xc];
	[sflag:s14] =	ssyncadd.s32 $0xFFFFFC00  }
0x109: {  	[hbm:s8], [sflag:s2] =	dma.local [spmem:s29], $0x400  }
0x10a: {  	_ =	swait.ge [sflag:s14], $0x400  }
0x10b: {  	s29 =	sld [smem:$0x7F2]  }
0x10c: {  	[sflag:s14] =	ssyncset.done $0x0  }
0x10d: {  	s8 =	rddreg [dreg:$0xd];
	[sflag:s14] =	ssyncadd.s32 $0xFFFFFC00  }
0x10e: {  	[hbm:s8], [sflag:s2] =	dma.local [spmem:s29], $0x400  }
0x10f: {  	_ =	swait.ge [sflag:s14], $0x400  }
0x110: {  	s8 =	sld [smem:$0x7F3]  }
0x111: {  	[sflag:s14] =	ssyncset.done $0x0  }
0x112: {  	s10 =	rddreg [dreg:$0xe];
	[sflag:s14] =	ssyncadd.s32 $0xFFFFFC00  }
0x113: {  	[hbm:s10], [sflag:s2] =	dma.local [spmem:s8], $0x400  }
0x114: {  	_ =	swait.ge [sflag:s14], $0x400  }
0x115: {  	s8 =	sld [smem:$0x7F4]  }
0x116: {  	[sflag:s14] =	ssyncset.done $0x0  }
0x117: {  	s10 =	rddreg [dreg:$0xf];
	[sflag:s14] =	ssyncadd.s32 $0xFFFFFC00  }
0x118: {  	[hbm:s10], [sflag:s2] =	dma.local [spmem:s8], $0x400  }
0x119: {  	_ =	swait.ge [sflag:s14], $0x400  }
0x11a: {  	[sflag:s14] =	ssyncset.done $0x0  }
0x11b: {  	[sflag:s14] =	ssyncadd.s32 $0xFFFFFC00  }
0x11c: {  	[bflag:$0x0] =	sbarrier.arrive $0xFFFF  }
0x11d: {  	s10 =	rddreg [dreg:$0x2]  }
0x11e: {  	[spmem:s11], [sflag:s2] =	dma.local [hbm:s10], $0x400  }
0x11f: {  	_ =	swait.ge [sflag:s14], $0x400  }
0x120: {  	[sflag:s14] =	ssyncset.done $0x0  }
0x121: {  	[sflag:s14] =	ssyncadd.s32 $0xFFFFFC00  }
0x122: {  	[spmem:s12], [sflag:s2] =	dma.local [hbm:s10], $0x400  }
0x123: {  	_ =	swait.ge [sflag:s14], $0x400  }
0x124: {  	[sflag:s14] =	ssyncset.done $0x0  }
0x125: {  	[sflag:s14] =	ssyncadd.s32 $0xFFFFFC00  }
0x126: {  	[spmem:s13], [sflag:s2] =	dma.local [hbm:s10], $0x400  }
0x127: {  	_ =	swait.ge [sflag:s14], $0x400  }
0x128: {  	s13 =	sld [smem:$0x7EE]  }
0x129: {  	[sflag:s14] =	ssyncset.done $0x0  }
0x12a: {  	[sflag:s14] =	ssyncadd.s32 $0xFFFFFC00  }
0x12b: {  	[spmem:s13], [sflag:s2] =	dma.local [hbm:s10], $0x400  }
0x12c: {  	_ =	swait.ge [sflag:s14], $0x400  }
0x12d: {  	[sflag:s14] =	ssyncset.done $0x0  }
0x12e: {  	[sflag:s14] =	ssyncadd.s32 $0xFFFFFC00  }
0x12f: {  	[spmem:s9], [sflag:s2] =	dma.local [hbm:s10], $0x400  }
0x130: {  	_ =	swait.ge [sflag:s14], $0x400  }
0x131: {  	s12 =	sld [smem:$0x7F0]  }
0x132: {  	[sflag:s14] =	ssyncset.done $0x0  }
0x133: {  	[sflag:s14] =	ssyncadd.s32 $0xFFFFFC00  }
0x134: {  	[spmem:s12], [sflag:s2] =	dma.local [hbm:s10], $0x400  }
0x135: {  	_ =	swait.ge [sflag:s14], $0x400  }
0x136: {  	s13 =	sld [smem:$0x7F1]  }
0x137: {  	[sflag:s14] =	ssyncset.done $0x0  }
0x138: {  	[sflag:s14] =	ssyncadd.s32 $0xFFFFFC00  }
0x139: {  	[spmem:s13], [sflag:s2] =	dma.local [hbm:s10], $0x400  }
0x13a: {  	_ =	swait.ge [sflag:s14], $0x400  }
0x13b: {  	[sflag:s14] =	ssyncset.done $0x0  }
0x13c: {  	[sflag:s14] =	ssyncadd.s32 $0xFFFFFC00  }
0x13d: {  	[spmem:s29], [sflag:s2] =	dma.local [hbm:s10], $0x400  }
0x13e: {  	_ =	swait.ge [sflag:s14], $0x400  }
0x13f: {  	s29 =	sld [smem:$0x7F3]  }
0x140: {  	[sflag:s14] =	ssyncset.done $0x0  }
0x141: {  	[sflag:s14] =	ssyncadd.s32 $0xFFFFFC00  }
0x142: {  	[spmem:s29], [sflag:s2] =	dma.local [hbm:s10], $0x400  }
0x143: {  	_ =	swait.ge [sflag:s14], $0x400  }
0x144: {  	[sflag:s14] =	ssyncset.done $0x0  }
0x145: {  	[sflag:s14] =	ssyncadd.s32 $0xFFFFFC00  }
0x146: {  	[spmem:s8], [sflag:s2] =	dma.local [hbm:s10], $0x400  }
0x147: {  	_ =	swait.ge [sflag:s14], $0x400  }
0x148: {  	[sflag:s14] =	ssyncset.done $0x0  }
0x149: {  	[sflag:s14] =	ssyncadd.s32 $0xFFFFFC00  }
0x14a: {  	s12 =	simm.s32 $0x0;
	s11 =	rddreg [dreg:$0x3]  }
0x14b: {  	[tilespmem:s18], [sflag:$0x5] =	stream.linear.gather [hbm4b:s11+s12], $0x1400, $0x38;
	[tilespmem:$0x19300] =	vst v63  }
0x14c: {  	_ =	swait.ge [sflag:s14], $0x1400  }
0x14d: {  	[sflag:s14] =	ssyncset.done $0x0  }
0x14e: {  	[sflag:s14] =	ssyncadd.s32 $0xFFFFEC00  }
0x14f: {  	s13 =	sadd.s32 $0x0, s30;
	[bflag:$0x0] =	sbarrier.arrive $0xFFFF  }
0x150: {  	[tilespmem:s5], [sflag:$0x5] =	stream.linear.gather [hbm4b:s13+s24], $0x28, $0x38;
	[tilespmem:$0x19300] =	vst v63  }
0x151: {  	_ =	swait.ge [sflag:s14], $0x28  }
0x152: {  	[sflag:s14] =	ssyncset.done $0x0  }
0x153: {  	[sflag:s14] =	ssyncadd.s32 $0xFFFFFFD8  }
0x154: {  	[spmem:s31] =	stream.indirect.scatter.add.f32 [tilespmem:s18], [sflag:$0x1], $0x80, s5, s6, $0xb8;
	[tilespmem:$0x19300] =	vst v63  }
0x155: {  	s29 =	sadd.s32 $0x0, s0  }
0x156: {  	[tilespmem:s7], [sflag:$0x5] =	stream.linear.gather [hbm4b:s29+s24], $0x28, $0x38;
	[tilespmem:$0x19300] =	vst v63  }
0x157: {  	_ =	swait.ge [sflag:s14], $0x28  }
0x158: {  	[sflag:s14] =	ssyncset.done $0x0  }
0x159: {  	[sflag:s14] =	ssyncadd.s32 $0xFFFFFFD8  }
0x15a: {  	_ =	swait.ge [sflag:s21], $0x1400  }
0x15b: {  	[sflag:s21] =	ssyncset.done $0x0  }
0x15c: {  	[sflag:s21] =	ssyncadd.s32 $0xFFFFEC00  }
0x15d: {  	[spmem:s31] =	stream.indirect.scatter.add.f32 [tilespmem:s18], [sflag:$0x2], $0x80, s7, s6, $0xb8;
	[tilespmem:$0x19300] =	vst v63  }
0x15e: {  	_ =	swait.ge [sflag:s1], $0x1400  }
0x15f: {  	s9 =	simm.s32 $0xA;
	s10 =	simm.s32 $0x14;
	[sflag:s1] =	ssyncset.done $0x0  }
.LBB2_4:
0x160: {  	s11 =	sadd.s32 s9, s30  }
0x161: {  	[sflag:s1] =	ssyncadd.s32 $0xFFFFEC00;
	s12 =	smov.u32 s10;
	s13 =	sadd.s32 $0xA, s10  }
0x162: {  	[tilespmem:s5], [sflag:$0x5] =	stream.linear.gather [hbm4b:s11+s24], $0x28, $0x38;
	[tilespmem:$0x19300] =	vst v63  }
0x163: {  	p0 =	sne.s32 s10, $0x262;
	_ =	swait.ge [sflag:s14], $0x28  }
0x164: {  	[sflag:s14] =	ssyncset.done $0x0  }
0x165: {  	[sflag:s14] =	ssyncadd.s32 $0xFFFFFFD8  }
0x166: {  	[spmem:s31] =	stream.indirect.scatter.add.f32 [tilespmem:s18], [sflag:$0x1], $0x80, s5, s6, $0xb8;
	[tilespmem:$0x19300] =	vst v63  }
0x167: {  	s10 =	sadd.s32 s9, s0;
	s9 =	smov.u32 s12  }
0x168: {  	[tilespmem:s7], [sflag:$0x5] =	stream.linear.gather [hbm4b:s10+s24], $0x28, $0x38;
	[tilespmem:$0x19300] =	vst v63  }
0x169: {  	_ =	swait.ge [sflag:s14], $0x28  }
0x16a: {  	[sflag:s14] =	ssyncset.done $0x0  }
0x16b: {  	[sflag:s14] =	ssyncadd.s32 $0xFFFFFFD8  }
0x16c: {  	_ =	swait.ge [sflag:s21], $0x1400  }
.Ltmp1:
0x16d: {  	[sflag:s21] =	ssyncset.done $0x0;
	(pc) =	sbr.rel @p0 .LBB2_4-.Ltmp1, $4  }
0x16e: {  	[sflag:s21] =	ssyncadd.s32 $0xFFFFEC00  }
0x16f: {  	[spmem:s31] =	stream.indirect.scatter.add.f32 [tilespmem:s18], [sflag:$0x2], $0x80, s7, s6, $0xb8;
	[tilespmem:$0x19300] =	vst v63  }
0x170: {  	_ =	swait.ge [sflag:s1], $0x1400  }
0x171: {  	s10 =	smov.u32 s13;
	[sflag:s1] =	ssyncset.done $0x0  }
0x172: {  	s10 =	sadd.s32 s9, s30;
	[sflag:s1] =	ssyncadd.s32 $0xFFFFEC00  }
0x173: {  	[tilespmem:s5], [sflag:$0x5] =	stream.linear.gather [hbm4b:s10+s24], $0x28, $0x38;
	[tilespmem:$0x19300] =	vst v63  }
0x174: {  	_ =	swait.ge [sflag:s14], $0x28  }
0x175: {  	[sflag:s14] =	ssyncset.done $0x0  }
0x176: {  	[sflag:s14] =	ssyncadd.s32 $0xFFFFFFD8  }
0x177: {  	[spmem:s31] =	stream.indirect.scatter.add.f32 [tilespmem:s18], [sflag:$0x1], $0x80, s5, s6, $0xb8;
	[tilespmem:$0x19300] =	vst v63  }
0x178: {  	s10 =	sadd.s32 s9, s0  }
0x179: {  	[tilespmem:s7], [sflag:$0x5] =	stream.linear.gather [hbm4b:s10+s24], $0x28, $0x38;
	[tilespmem:$0x19300] =	vst v63  }
0x17a: {  	_ =	swait.ge [sflag:s14], $0x28  }
0x17b: {  	[sflag:s14] =	ssyncset.done $0x0  }
0x17c: {  	[sflag:s14] =	ssyncadd.s32 $0xFFFFFFD8  }
0x17d: {  	_ =	swait.ge [sflag:s21], $0x1400  }
0x17e: {  	[sflag:s21] =	ssyncset.done $0x0  }
0x17f: {  	[sflag:s21] =	ssyncadd.s32 $0xFFFFEC00  }
0x180: {  	[spmem:s31] =	stream.indirect.scatter.add.f32 [tilespmem:s18], [sflag:$0x2], $0x80, s7, s6, $0xb8;
	[tilespmem:$0x19300] =	vst v63  }
0x181: {  	_ =	swait.ge [sflag:s1], $0x1400  }
0x182: {  	s11 =	sld [smem:$0x7FB]  }
0x183: {  	[sflag:s1] =	ssyncset.done $0x0  }
0x184: {  	[sflag:s1] =	ssyncadd.s32 $0xFFFFEC00  }
0x185: {  	[tilespmem:s5], [sflag:$0x5] =	stream.linear.gather [hbm4b:s11+s24], $0x28, $0x38;
	[tilespmem:$0x19300] =	vst v63  }
0x186: {  	_ =	swait.ge [sflag:s14], $0x28  }
0x187: {  	[sflag:s14] =	ssyncset.done $0x0  }
0x188: {  	[sflag:s14] =	ssyncadd.s32 $0xFFFFFFD8  }
0x189: {  	[spmem:s31] =	stream.indirect.scatter.add.f32 [tilespmem:s18], [sflag:$0x5], $0x80, s5, s6, $0xb8;
	[tilespmem:$0x19300] =	vst v63  }
0x18a: {  	_ =	swait.ge [sflag:s14], $0x1400  }
0x18b: {  	[sflag:s14] =	ssyncset.done $0x0  }
0x18c: {  	[sflag:s14] =	ssyncadd.s32 $0xFFFFEC00  }
0x18d: {  	[bflag:$0x0] =	sbarrier.arrive $0xFFFF  }
0x18e: {  	s13 =	sld [smem:$0x7EB];
	_ =	sdelay $0x1  }
0x18f: {  	s12 =	rddreg [dreg:$0x10]  }
0x190: {  	[hbm:s12], [sflag:s2] =	dma.local [spmem:s13], $0x400  }
0x191: {  	_ =	swait.ge [sflag:s14], $0x400  }
0x192: {  	s8 =	sld [smem:$0x7EC]  }
0x193: {  	[sflag:s14] =	ssyncset.done $0x0  }
0x194: {  	s29 =	rddreg [dreg:$0x11];
	[sflag:s14] =	ssyncadd.s32 $0xFFFFFC00  }
0x195: {  	[hbm:s29], [sflag:s2] =	dma.local [spmem:s8], $0x400  }
0x196: {  	_ =	swait.ge [sflag:s14], $0x400  }
0x197: {  	s11 =	sld [smem:$0x7ED]  }
0x198: {  	[sflag:s14] =	ssyncset.done $0x0  }
0x199: {  	s10 =	rddreg [dreg:$0x12];
	[sflag:s14] =	ssyncadd.s32 $0xFFFFFC00  }
0x19a: {  	[hbm:s10], [sflag:s2] =	dma.local [spmem:s11], $0x400  }
0x19b: {  	_ =	swait.ge [sflag:s14], $0x400  }
0x19c: {  	s13 =	sld [smem:$0x7EE]  }
0x19d: {  	[sflag:s14] =	ssyncset.done $0x0  }
0x19e: {  	s12 =	rddreg [dreg:$0x13];
	[sflag:s14] =	ssyncadd.s32 $0xFFFFFC00  }
0x19f: {  	[hbm:s12], [sflag:s2] =	dma.local [spmem:s13], $0x400  }
0x1a0: {  	_ =	swait.ge [sflag:s14], $0x400  }
0x1a1: {  	s8 =	sld [smem:$0x7EF]  }
0x1a2: {  	[sflag:s14] =	ssyncset.done $0x0  }
0x1a3: {  	s29 =	rddreg [dreg:$0x14];
	[sflag:s14] =	ssyncadd.s32 $0xFFFFFC00  }
0x1a4: {  	[hbm:s29], [sflag:s2] =	dma.local [spmem:s8], $0x400  }
0x1a5: {  	_ =	swait.ge [sflag:s14], $0x400  }
0x1a6: {  	s10 =	sld [smem:$0x7F0]  }
0x1a7: {  	[sflag:s14] =	ssyncset.done $0x0  }
0x1a8: {  	s8 =	rddreg [dreg:$0x15];
	[sflag:s14] =	ssyncadd.s32 $0xFFFFFC00  }
0x1a9: {  	[hbm:s8], [sflag:s2] =	dma.local [spmem:s10], $0x400  }
0x1aa: {  	_ =	swait.ge [sflag:s14], $0x400  }
0x1ab: {  	s12 =	sld [smem:$0x7F1]  }
0x1ac: {  	[sflag:s14] =	ssyncset.done $0x0  }
0x1ad: {  	s11 =	rddreg [dreg:$0x16];
	[sflag:s14] =	ssyncadd.s32 $0xFFFFFC00  }
0x1ae: {  	[hbm:s11], [sflag:s2] =	dma.local [spmem:s12], $0x400  }
0x1af: {  	_ =	swait.ge [sflag:s14], $0x400  }
0x1b0: {  	s29 =	sld [smem:$0x7F2]  }
0x1b1: {  	[sflag:s14] =	ssyncset.done $0x0  }
0x1b2: {  	s13 =	rddreg [dreg:$0x17];
	[sflag:s14] =	ssyncadd.s32 $0xFFFFFC00  }
0x1b3: {  	[hbm:s13], [sflag:s2] =	dma.local [spmem:s29], $0x400  }
0x1b4: {  	_ =	swait.ge [sflag:s14], $0x400  }
0x1b5: {  	s10 =	sld [smem:$0x7F3]  }
0x1b6: {  	[sflag:s14] =	ssyncset.done $0x0  }
0x1b7: {  	s8 =	rddreg [dreg:$0x18];
	[sflag:s14] =	ssyncadd.s32 $0xFFFFFC00  }
0x1b8: {  	[hbm:s8], [sflag:s2] =	dma.local [spmem:s10], $0x400  }
0x1b9: {  	_ =	swait.ge [sflag:s14], $0x400  }
0x1ba: {  	s12 =	sld [smem:$0x7F4]  }
0x1bb: {  	[sflag:s14] =	ssyncset.done $0x0  }
0x1bc: {  	s11 =	rddreg [dreg:$0x19];
	[sflag:s14] =	ssyncadd.s32 $0xFFFFFC00  }
0x1bd: {  	[hbm:s11], [sflag:s2] =	dma.local [spmem:s12], $0x400  }
0x1be: {  	_ =	swait.ge [sflag:s14], $0x400  }
0x1bf: {  	s13 =	sld [smem:$0x7EA]  }
0x1c0: {  	s29 =	sld [smem:$0x7FD];
	_ =	sdelay $0x1  }
0x1c1: {  	s8 =	sadd.s32 $0x1, s13  }
0x1c2: {  	p0 =	sne.s32 s8, s29  }
.Ltmp2:
0x1c3: {  	_ = 	snop;
	(pc) =	sbr.rel @p0 .LBB2_1-.Ltmp2, $3  }
0x1c4: {  	_ =	sdelay $0x1  }
0x1c5: {  	[sflag:s14] =	ssyncset.done $0x0  }
0x1c6: {  	[sflag:s14] =	ssyncadd.s32 $0xFFFFFC00  }
0x1c7: {  	_ =	sfence.sel $0x180000  }
0x1c8: {  	[bflag:$0x0] =	sbarrier.arrive $0xFFFF  }
0x1c9: {  	_ =	strace $0x90000047  }
0x1ca: {  	s0 =	stileid.u32;
	[bflag:$0x2] =	sbarrier.arrive $0xFFFF  }
0x1cb: {  	p0 =	sne.s32 s0, $0x0;
	s0 =	rddreg [dreg:$0x5]  }
0x1cc: {  	s0 =	sadd.s32 @!p0 $0x100000, s0  }
0x1cd: {  	[sflag:s0] =	ssyncadd.tile.s32 @!p0 $0x1;
	_ =	shalt  }
.Lfunc_end2:
_tile_overlayer_lowered:
.L_overlay_start_2:
0x1ce: {  	(tag) =	ssettag $0x2  }
0x1cf: {  	s0 =	rddreg [dreg:$0x0];
	s2 =	stileid.u32  }
0x1d0: {  	s1 =	rddreg [dreg:$0x1];
	p0 =	sne.s32 s2, $0x0  }
0x1d1: {  	s3 =	rddreg [dreg:$0x2];
	[bflag:$0x3] =	sbarrier.arrive $0xFFFF;
	s2 =	simm.s32 @!p0 $0x1C05  }
0x1d2: {  	[timem:s3], [sflag:s2] =	dma.local @!p0 [hbm:s0], s1  }
0x1d3: {  	s0 =	simm.s32 @!p0 $0x5  }
0x1d4: {  	_ =	swait.ge @!p0 [sflag:s0], s1  }
0x1d5: {  	s1 =	ssub.s32 @!p0 $0x0, s1;
	[sflag:s0] =	ssyncset.done @!p0 $0x0  }
0x1d6: {  	[sflag:s0] =	ssyncadd.s32 @!p0 s1  }
0x1d7: {  	[bflag:$0x3] =	sbarrier.arrive $0xFFFF  }
0x1d8: {  	_ =	shalt  }

</sc_bundles>
